<compile_context>
chip_gen: v7x
topology: tpu7x:2x2x1
jax: 0.10.2.dev20260603
libtpu: 0.0.44.dev20260713+nightly
codegen_flags: <defaults>
</compile_context>

<pallas_src>
import functools
import jax
import jax.numpy as jnp
from jax import lax
from jax.experimental import pallas as pl
from jax.experimental.pallas import tpu as pltpu, tpu_sc as plsc

_B, _H, _W, _C = 2, 384, 384, 96
_RP = 16
_TCP = 144
_SCP = _H // 2 - _TCP
_NW = 32
_PPW = _B * _SCP // _NW
_QC = _C // 4

_mesh = plsc.VectorSubcoreMesh(core_axis_name="c", subcore_axis_name="s")



def _tc_body(x_ref, o_ref):
    xe = x_ref[0, :, 0]
    xo = x_ref[0, :, 1]
    w = xe.shape[2]

    even_w = (jax.lax.broadcasted_iota(jnp.int32, xe.shape, 2) & 1) == 0

    def pair_swap(a):
        return jnp.where(
            even_w,
            pltpu.roll(a, w - 1, axis=2),
            pltpu.roll(a, 1, axis=2),
        )

    pe = pair_swap(xe)
    po = pair_swap(xo)

    win_e = (xe > pe) | (even_w & (xe == pe))
    win_o = (xo > po) | (even_w & (xo == po))
    e_ge = jnp.maximum(xe, pe) >= jnp.maximum(xo, po)

    o_ref[0, :, 0] = jnp.where(win_e & e_ge, xe, 0.0)
    o_ref[0, :, 1] = jnp.where(win_o & ~e_ge, xo, 0.0)



@functools.partial(
    pl.kernel,
    mesh=_mesh,
    out_type=jax.ShapeDtypeStruct((_B * _SCP * 2, _C, _W), jnp.float32),
    compiler_params=pltpu.CompilerParams(needs_layout_passes=False),
    scratch_types=[
        pltpu.VMEM((_QC, _W), jnp.float32),
        pltpu.VMEM((_QC, _W), jnp.float32),
        pltpu.VMEM((_QC, _W), jnp.float32),
        pltpu.VMEM((_QC, _W), jnp.float32),
    ],
)
def _sc_unpool(x_hbm, o_hbm, xe_v, xo_v, oe_v, oo_v):
    wid = lax.axis_index("s") * 2 + lax.axis_index("c")
    lane = lax.iota(jnp.int32, 16)
    zero = jnp.zeros((16,), jnp.float32)

    def do_pair(j, _):
        p = wid * _PPW + j
        b = p // _SCP
        hp = _TCP + p % _SCP
        r0 = b * _H + 2 * hp
        s0 = 2 * p

        def do_chunk(q, _):
            c0 = q * _QC
            pltpu.sync_copy(x_hbm.at[r0, pl.ds(c0, _QC)], xe_v)
            pltpu.sync_copy(x_hbm.at[r0 + 1, pl.ds(c0, _QC)], xo_v)

            @plsc.parallel_loop(0, _QC * (_W // 32), unroll=4)
            def _grp_loop(t):
                r = t // (_W // 32)
                g = t % (_W // 32)
                rr = jnp.full((16,), r, jnp.int32)
                ie = g * 32 + 2 * lane
                io = ie + 1
                a0 = plsc.load_gather(xe_v, [rr, ie])
                a1 = plsc.load_gather(xe_v, [rr, io])
                a2 = plsc.load_gather(xo_v, [rr, ie])
                a3 = plsc.load_gather(xo_v, [rr, io])
                w0 = a0 >= a1
                w2 = a2 >= a3
                ege = jnp.maximum(a0, a1) >= jnp.maximum(a2, a3)
                plsc.store_scatter(oe_v, [rr, ie],
                                   jnp.where(w0 & ege, a0, zero))
                plsc.store_scatter(oe_v, [rr, io],
                                   jnp.where(~w0 & ege, a1, zero))
                plsc.store_scatter(oo_v, [rr, ie],
                                   jnp.where(w2 & ~ege, a2, zero))
                plsc.store_scatter(oo_v, [rr, io],
                                   jnp.where(~w2 & ~ege, a3, zero))
            pltpu.sync_copy(oe_v, o_hbm.at[s0, pl.ds(c0, _QC)])
            pltpu.sync_copy(oo_v, o_hbm.at[s0 + 1, pl.ds(c0, _QC)])
            return 0

        return lax.fori_loop(0, 4, do_chunk, 0)

    lax.fori_loop(0, _PPW, do_pair, 0)


def kernel(x):
    xt = jnp.transpose(x, (0, 1, 3, 2))
    x5 = xt.reshape(_B, _H // 2, 2, _C, _W)

    sc_out = _sc_unpool(xt.reshape(_B * _H, _C, _W))

    tc_out = pl.pallas_call(
        _tc_body,
        grid=(_B, _TCP // _RP),
        in_specs=[pl.BlockSpec((1, _RP, 2, _C, _W), lambda b, i: (b, i, 0, 0, 0))],
        out_specs=pl.BlockSpec((1, _RP, 2, _C, _W), lambda b, i: (b, i, 0, 0, 0)),
        out_shape=jax.ShapeDtypeStruct((_B, _TCP, 2, _C, _W), x.dtype),
    )(x5)

    sc5 = sc_out.reshape(_B, _SCP, 2, _C, _W)

    out = jnp.concatenate([tc_out, sc5], axis=1)
    return jnp.transpose(out.reshape(_B, _H, _C, _W), (0, 1, 3, 2))

# --- scband reference (transcript-rebuilt; emitter-appended) ---
"""Pipeline reference for scband-max-unpool2-dwith-argmax-24146306138733 (READ-ONLY COPY).

The authoritative reference and input builder live on the scoring server;
editing this copy changes nothing except your own understanding.
"""

import jax, jax.numpy as jnp
import numpy as np

B, H, W, C = 2, 384, 384, 96


def setup_inputs(seed: int = 0) -> dict:
    key = jax.random.key(seed)
    x = jax.random.normal(key, (B, H, W, C), dtype=jnp.float32)
    return {"x": x}


def _pool_with_argmax(x):
    # Emulates tf.nn.max_pool_with_argmax with 2x2 window, stride 2, SAME padding
    # (H, W divisible by 2 so SAME == VALID here). Argmax uses TF's flattening:
    # idx = (h * W + w) * C + c, per batch (include_batch_in_index=False).
    Bs, Hs, Ws, Cs = x.shape
    Ho, Wo = Hs // 2, Ws // 2
    xr = x.reshape(Bs, Ho, 2, Wo, 2, Cs)
    xw = jnp.transpose(xr, (0, 1, 3, 5, 2, 4)).reshape(Bs, Ho, Wo, Cs, 4)
    pooled = jnp.max(xw, axis=-1)
    arg = jnp.argmax(xw, axis=-1)
    dh = arg // 2
    dw = arg % 2
    h0 = jnp.arange(Ho)[None, :, None, None]
    w0 = jnp.arange(Wo)[None, None, :, None]
    cc = jnp.arange(Cs)[None, None, None, :]
    hh = h0 * 2 + dh
    ww = w0 * 2 + dw
    argmax_flat = (hh * Ws + ww) * Cs + cc  # per-batch flat index into H*W*C
    return pooled, argmax_flat


def reference(x):
    # MaxPool2DWithArgmax.call -> pooled, argmax (stored)
    pooled, argmax = _pool_with_argmax(x)
    # MaxUnpool2DWithArgmax.call
    shp = x.shape
    per_batch = shp[1] * shp[2] * shp[3]
    total = shp[0] * per_batch
    pf = pooled.reshape(-1)
    batch_off = (jnp.arange(shp[0], dtype=jnp.int32) * per_batch)[:, None, None, None]
    b_argmax = argmax.astype(jnp.int32) + batch_off
    amf = b_argmax.reshape(-1)
    # tf.scatter_nd accumulates duplicates (indices here are unique); use .at[].add
    upf = jnp.zeros((total,), dtype=x.dtype).at[amf].add(pf)
    unpooled = upf.reshape(shp)
    return unpooled

if __name__ == "__main__":
    import jax
    _d = setup_inputs()
    print(jax.jit(kernel)(*tuple(_d.values())))

</pallas_src>

<mosaic_0001>
#map = affine_map<(d0, d1) -> (0, 0, 0)>
module attributes {stable_mosaic.version = 14 : i64} {
  func.func @_sc_unpool(%arg0: i32, %arg1: i32, %arg2: memref<768x96x384xf32, #tpu.memory_space<hbm>>, %arg3: memref<192x96x384xf32, #tpu.memory_space<hbm>>, %arg4: memref<24x384xf32, #tpu.memory_space<vmem>>, %arg5: memref<24x384xf32, #tpu.memory_space<vmem>>, %arg6: memref<24x384xf32, #tpu.memory_space<vmem>>, %arg7: memref<24x384xf32, #tpu.memory_space<vmem>>) attributes {dimension_semantics = [#tpu.dimension_semantics<core_parallel>, #tpu.dimension_semantics<subcore_parallel>], iteration_bounds = array<i64: 2, 16>, scalar_prefetch = 0 : i64, scratch_operands = 4 : i64, tpu.core_type = #tpu.core_type<sc_vector_subcore>, window_params = [{transform_indices = #map}, {transform_indices = #map}]} {
    %mul3A = arith.constant 2 : i32
    %mul3A_0 = arith.muli %arg1, %mul3A : i32
    %add3A = arith.addi %mul3A_0, %arg0 : i32
    %iota3A = tpu.iota {dimensions = array<i32: 0>} : vector<16xi32>
    %broadcast_in_dim3A = arith.constant 0.000000e+00 : f32
    %broadcast_in_dim3A_1 = vector.broadcast %broadcast_in_dim3A : f32 to vector<16xf32>
    %scan3A = arith.constant 0 : i32
    %scan3A_2 = arith.constant 0 : i32
    %scan3A_3 = arith.constant 3 : i32
    %scan3A_4 = arith.addi %scan3A_2, %scan3A_3 : i32
    %scan3A_5 = arith.constant 1 : i32
    %scan3A_6 = scf.for %scan3A_8 = %scan3A_2 to %scan3A_4 step %scan3A_5 iter_args(%scan3A_9 = %scan3A) -> (i32)  : i32 {
      %mul3A_10 = arith.constant 3 : i32
      %mul3A_11 = arith.muli %add3A, %mul3A_10 : i32
      %add3A_12 = arith.addi %mul3A_11, %scan3A_8 : i32
      %jit3A = arith.constant 48 : i32
      %div3A = arith.divsi %add3A_12, %jit3A : i32
      %sign3A = arith.constant 0 : i32
      %sign3A_13 = arith.cmpi sgt, %add3A_12, %sign3A : i32
      %sign3A_14 = arith.extui %sign3A_13 : i1 to i32
      %sign3A_15 = arith.constant 0 : i32
      %sign3A_16 = arith.cmpi slt, %add3A_12, %sign3A_15 : i32
      %sign3A_17 = arith.extui %sign3A_16 : i1 to i32
      %sign3A_18 = arith.subi %sign3A_14, %sign3A_17 : i32
      %sign3A_19 = arith.constant 0 : i32
      %sign3A_20 = arith.cmpi sgt, %jit3A, %sign3A_19 : i32
      %sign3A_21 = arith.extui %sign3A_20 : i1 to i32
      %sign3A_22 = arith.constant 0 : i32
      %sign3A_23 = arith.cmpi slt, %jit3A, %sign3A_22 : i32
      %sign3A_24 = arith.extui %sign3A_23 : i1 to i32
      %sign3A_25 = arith.subi %sign3A_21, %sign3A_24 : i32
      %ne3A = arith.cmpi ne, %sign3A_18, %sign3A_25 : i32
      %rem3A = arith.remsi %add3A_12, %jit3A : i32
      %ne3A_26 = arith.constant 0 : i32
      %ne3A_27 = arith.cmpi ne, %rem3A, %ne3A_26 : i32
      %and3A = arith.andi %ne3A, %ne3A_27 : i1
      %sub3A = arith.constant 1 : i32
      %sub3A_28 = arith.subi %div3A, %sub3A : i32
      %select_n3A = arith.select %and3A, %sub3A_28, %div3A : i32
      %jit3A_29 = arith.constant 48 : i32
      %eq3A = arith.constant 0 : i32
      %eq3A_30 = arith.cmpi eq, %jit3A_29, %eq3A : i32
      %jit3A_31 = arith.constant 1 : i32
      %select_n3A_32 = arith.select %eq3A_30, %jit3A_31, %jit3A_29 : i32
      %rem3A_33 = arith.remsi %add3A_12, %select_n3A_32 : i32
      %ne3A_34 = arith.constant 0 : i32
      %ne3A_35 = arith.cmpi ne, %rem3A_33, %ne3A_34 : i32
      %lt3A = arith.constant 0 : i32
      %lt3A_36 = arith.cmpi slt, %rem3A_33, %lt3A : i32
      %lt3A_37 = arith.constant 0 : i32
      %lt3A_38 = arith.cmpi slt, %select_n3A_32, %lt3A_37 : i32
      %ne3A_39 = arith.xori %lt3A_36, %lt3A_38 : i1
      %and3A_40 = arith.andi %ne3A_39, %ne3A_35 : i1
      %add3A_41 = arith.addi %rem3A_33, %select_n3A_32 : i32
      %select_n3A_42 = arith.select %and3A_40, %add3A_41, %rem3A_33 : i32
      %add3A_43 = arith.constant 144 : i32
      %add3A_44 = arith.addi %add3A_43, %select_n3A_42 : i32
      %mul3A_45 = arith.constant 384 : i32
      %mul3A_46 = arith.muli %select_n3A, %mul3A_45 : i32
      %mul3A_47 = arith.constant 2 : i32
      %mul3A_48 = arith.muli %mul3A_47, %add3A_44 : i32
      %add3A_49 = arith.addi %mul3A_46, %mul3A_48 : i32
      %mul3A_50 = arith.constant 2 : i32
      %mul3A_51 = arith.muli %mul3A_50, %add3A_12 : i32
      %scan3A_52 = arith.constant 0 : i32
      %scan3A_53 = arith.constant 0 : i32
      %scan3A_54 = arith.constant 4 : i32
      %scan3A_55 = arith.addi %scan3A_53, %scan3A_54 : i32
      %scan3A_56 = arith.constant 1 : i32
      %scan3A_57 = scf.for %scan3A_59 = %scan3A_53 to %scan3A_55 step %scan3A_56 iter_args(%scan3A_60 = %scan3A_52) -> (i32)  : i32 {
        %mul3A_61 = arith.constant 24 : i32
        %mul3A_62 = arith.muli %scan3A_59, %mul3A_61 : i32
        "tpu.region"() ({
          %run_scoped3A = tpu.sem_alloc : memref<!tpu.dma_semaphore, #tpu.memory_space<semaphore_mem>>
          %dma_start3A = arith.constant 0 : i32
          %dma_start3A_70 = tpu.memref_slice %arg2[%add3A_49, %mul3A_62, %dma_start3A] : memref<768x96x384xf32, #tpu.memory_space<hbm>> -> memref<1x24x384xf32, #tpu.memory_space<hbm>>
          %dma_start3A_71 = tpu.memref_squeeze %dma_start3A_70 : memref<1x24x384xf32, #tpu.memory_space<hbm>> -> memref<24x384xf32, #tpu.memory_space<hbm>>
          %dma_start3A_72 = arith.constant 0 : i32
          %dma_start3A_73 = tpu.memref_slice %arg2[%add3A_49, %mul3A_62, %dma_start3A_72] : memref<768x96x384xf32, #tpu.memory_space<hbm>> -> memref<1x24x384xf32, #tpu.memory_space<hbm>>
          %dma_start3A_74 = tpu.memref_squeeze %dma_start3A_73 : memref<1x24x384xf32, #tpu.memory_space<hbm>> -> memref<24x384xf32, #tpu.memory_space<hbm>>
          tpu.enqueue_dma source(%dma_start3A_74 : memref<24x384xf32, #tpu.memory_space<hbm>>) target(%arg4 : memref<24x384xf32, #tpu.memory_space<vmem>>) target_semaphore(%run_scoped3A : memref<!tpu.dma_semaphore, #tpu.memory_space<semaphore_mem>>)
          %dma_wait3A = arith.constant 0 : i32
          %dma_wait3A_75 = tpu.memref_slice %arg2[%add3A_49, %mul3A_62, %dma_wait3A] : memref<768x96x384xf32, #tpu.memory_space<hbm>> -> memref<1x24x384xf32, #tpu.memory_space<hbm>>
          %dma_wait3A_76 = tpu.memref_squeeze %dma_wait3A_75 : memref<1x24x384xf32, #tpu.memory_space<hbm>> -> memref<24x384xf32, #tpu.memory_space<hbm>>
          %dma_wait3A_77 = arith.constant 0 : i32
          %dma_wait3A_78 = tpu.memref_slice %arg2[%add3A_49, %mul3A_62, %dma_wait3A_77] : memref<768x96x384xf32, #tpu.memory_space<hbm>> -> memref<1x24x384xf32, #tpu.memory_space<hbm>>
          %dma_wait3A_79 = tpu.memref_squeeze %dma_wait3A_78 : memref<1x24x384xf32, #tpu.memory_space<hbm>> -> memref<24x384xf32, #tpu.memory_space<hbm>>
          tpu.wait_dma2 semaphore(%run_scoped3A : memref<!tpu.dma_semaphore, #tpu.memory_space<semaphore_mem>>) src(%dma_wait3A_79 : memref<24x384xf32, #tpu.memory_space<hbm>>) dst(%arg4 : memref<24x384xf32, #tpu.memory_space<vmem>>)
          tpu.yield
        }) : () -> ()
        %add3A_63 = arith.constant 1 : i32
        %add3A_64 = arith.addi %add3A_49, %add3A_63 : i32
        "tpu.region"() ({
          %run_scoped3A = tpu.sem_alloc : memref<!tpu.dma_semaphore, #tpu.memory_space<semaphore_mem>>
          %dma_start3A = arith.constant 0 : i32
          %dma_start3A_70 = tpu.memref_slice %arg2[%add3A_64, %mul3A_62, %dma_start3A] : memref<768x96x384xf32, #tpu.memory_space<hbm>> -> memref<1x24x384xf32, #tpu.memory_space<hbm>>
          %dma_start3A_71 = tpu.memref_squeeze %dma_start3A_70 : memref<1x24x384xf32, #tpu.memory_space<hbm>> -> memref<24x384xf32, #tpu.memory_space<hbm>>
          %dma_start3A_72 = arith.constant 0 : i32
          %dma_start3A_73 = tpu.memref_slice %arg2[%add3A_64, %mul3A_62, %dma_start3A_72] : memref<768x96x384xf32, #tpu.memory_space<hbm>> -> memref<1x24x384xf32, #tpu.memory_space<hbm>>
          %dma_start3A_74 = tpu.memref_squeeze %dma_start3A_73 : memref<1x24x384xf32, #tpu.memory_space<hbm>> -> memref<24x384xf32, #tpu.memory_space<hbm>>
          tpu.enqueue_dma source(%dma_start3A_74 : memref<24x384xf32, #tpu.memory_space<hbm>>) target(%arg5 : memref<24x384xf32, #tpu.memory_space<vmem>>) target_semaphore(%run_scoped3A : memref<!tpu.dma_semaphore, #tpu.memory_space<semaphore_mem>>)
          %dma_wait3A = arith.constant 0 : i32
          %dma_wait3A_75 = tpu.memref_slice %arg2[%add3A_64, %mul3A_62, %dma_wait3A] : memref<768x96x384xf32, #tpu.memory_space<hbm>> -> memref<1x24x384xf32, #tpu.memory_space<hbm>>
          %dma_wait3A_76 = tpu.memref_squeeze %dma_wait3A_75 : memref<1x24x384xf32, #tpu.memory_space<hbm>> -> memref<24x384xf32, #tpu.memory_space<hbm>>
          %dma_wait3A_77 = arith.constant 0 : i32
          %dma_wait3A_78 = tpu.memref_slice %arg2[%add3A_64, %mul3A_62, %dma_wait3A_77] : memref<768x96x384xf32, #tpu.memory_space<hbm>> -> memref<1x24x384xf32, #tpu.memory_space<hbm>>
          %dma_wait3A_79 = tpu.memref_squeeze %dma_wait3A_78 : memref<1x24x384xf32, #tpu.memory_space<hbm>> -> memref<24x384xf32, #tpu.memory_space<hbm>>
          tpu.wait_dma2 semaphore(%run_scoped3A : memref<!tpu.dma_semaphore, #tpu.memory_space<semaphore_mem>>) src(%dma_wait3A_79 : memref<24x384xf32, #tpu.memory_space<hbm>>) dst(%arg5 : memref<24x384xf32, #tpu.memory_space<vmem>>)
          tpu.yield
        }) : () -> ()
        %parallel_loop3A = arith.constant 0 : i32
        %parallel_loop3A_65 = arith.constant 288 : i32
        %parallel_loop3A_66 = arith.constant 1 : i32
        scf.for %parallel_loop3A_70 = %parallel_loop3A to %parallel_loop3A_65 step %parallel_loop3A_66  : i32 {
          %parallel_loop3A_71 = arith.constant 12 : i32
          %parallel_loop3A_72 = arith.divsi %parallel_loop3A_70, %parallel_loop3A_71 : i32
          %parallel_loop3A_73 = arith.constant 0 : i32
          %parallel_loop3A_74 = arith.cmpi sgt, %parallel_loop3A_70, %parallel_loop3A_73 : i32
          %parallel_loop3A_75 = arith.extui %parallel_loop3A_74 : i1 to i32
          %parallel_loop3A_76 = arith.constant 0 : i32
          %parallel_loop3A_77 = arith.cmpi slt, %parallel_loop3A_70, %parallel_loop3A_76 : i32
          %parallel_loop3A_78 = arith.extui %parallel_loop3A_77 : i1 to i32
          %parallel_loop3A_79 = arith.subi %parallel_loop3A_75, %parallel_loop3A_78 : i32
          %parallel_loop3A_80 = arith.constant 0 : i32
          %parallel_loop3A_81 = arith.cmpi sgt, %parallel_loop3A_71, %parallel_loop3A_80 : i32
          %parallel_loop3A_82 = arith.extui %parallel_loop3A_81 : i1 to i32
          %parallel_loop3A_83 = arith.constant 0 : i32
          %parallel_loop3A_84 = arith.cmpi slt, %parallel_loop3A_71, %parallel_loop3A_83 : i32
          %parallel_loop3A_85 = arith.extui %parallel_loop3A_84 : i1 to i32
          %parallel_loop3A_86 = arith.subi %parallel_loop3A_82, %parallel_loop3A_85 : i32
          %parallel_loop3A_87 = arith.cmpi ne, %parallel_loop3A_79, %parallel_loop3A_86 : i32
          %parallel_loop3A_88 = arith.remsi %parallel_loop3A_70, %parallel_loop3A_71 : i32
          %parallel_loop3A_89 = arith.constant 0 : i32
          %parallel_loop3A_90 = arith.cmpi ne, %parallel_loop3A_88, %parallel_loop3A_89 : i32
          %parallel_loop3A_91 = arith.andi %parallel_loop3A_87, %parallel_loop3A_90 : i1
          %parallel_loop3A_92 = arith.constant 1 : i32
          %parallel_loop3A_93 = arith.subi %parallel_loop3A_72, %parallel_loop3A_92 : i32
          %parallel_loop3A_94 = arith.select %parallel_loop3A_91, %parallel_loop3A_93, %parallel_loop3A_72 : i32
          %parallel_loop3A_95 = arith.constant 12 : i32
          %parallel_loop3A_96 = arith.constant 0 : i32
          %parallel_loop3A_97 = arith.cmpi eq, %parallel_loop3A_95, %parallel_loop3A_96 : i32
          %parallel_loop3A_98 = arith.constant 1 : i32
          %parallel_loop3A_99 = arith.select %parallel_loop3A_97, %parallel_loop3A_98, %parallel_loop3A_95 : i32
          %parallel_loop3A_100 = arith.remsi %parallel_loop3A_70, %parallel_loop3A_99 : i32
          %parallel_loop3A_101 = arith.constant 0 : i32
          %parallel_loop3A_102 = arith.cmpi ne, %parallel_loop3A_100, %parallel_loop3A_101 : i32
          %parallel_loop3A_103 = arith.constant 0 : i32
          %parallel_loop3A_104 = arith.cmpi slt, %parallel_loop3A_100, %parallel_loop3A_103 : i32
          %parallel_loop3A_105 = arith.constant 0 : i32
          %parallel_loop3A_106 = arith.cmpi slt, %parallel_loop3A_99, %parallel_loop3A_105 : i32
          %parallel_loop3A_107 = arith.xori %parallel_loop3A_104, %parallel_loop3A_106 : i1
          %parallel_loop3A_108 = arith.andi %parallel_loop3A_107, %parallel_loop3A_102 : i1
          %parallel_loop3A_109 = arith.addi %parallel_loop3A_100, %parallel_loop3A_99 : i32
          %parallel_loop3A_110 = arith.select %parallel_loop3A_108, %parallel_loop3A_109, %parallel_loop3A_100 : i32
          %parallel_loop3A_111 = vector.broadcast %parallel_loop3A_94 : i32 to vector<16xi32>
          %parallel_loop3A_112 = arith.constant 32 : i32
          %parallel_loop3A_113 = arith.muli %parallel_loop3A_110, %parallel_loop3A_112 : i32
          %parallel_loop3A_114 = arith.constant 2 : i32
          %parallel_loop3A_115 = vector.broadcast %parallel_loop3A_114 : i32 to vector<16xi32>
          %parallel_loop3A_116 = arith.muli %parallel_loop3A_115, %iota3A : vector<16xi32>
          %parallel_loop3A_117 = vector.broadcast %parallel_loop3A_113 : i32 to vector<16xi32>
          %parallel_loop3A_118 = arith.addi %parallel_loop3A_117, %parallel_loop3A_116 : vector<16xi32>
          %parallel_loop3A_119 = arith.constant 1 : i32
          %parallel_loop3A_120 = vector.broadcast %parallel_loop3A_119 : i32 to vector<16xi32>
          %parallel_loop3A_121 = arith.addi %parallel_loop3A_118, %parallel_loop3A_120 : vector<16xi32>
          %parallel_loop3A_122 = tpu.vector_load_idx %arg4[%parallel_loop3A_111, %parallel_loop3A_118] : memref<24x384xf32, #tpu.memory_space<vmem>>[vector<16xi32>, vector<16xi32>], vector<16xf32>,
          %parallel_loop3A_123 = tpu.vector_load_idx %arg4[%parallel_loop3A_111, %parallel_loop3A_121] : memref<24x384xf32, #tpu.memory_space<vmem>>[vector<16xi32>, vector<16xi32>], vector<16xf32>,
          %parallel_loop3A_124 = tpu.vector_load_idx %arg5[%parallel_loop3A_111, %parallel_loop3A_118] : memref<24x384xf32, #tpu.memory_space<vmem>>[vector<16xi32>, vector<16xi32>], vector<16xf32>,
          %parallel_loop3A_125 = tpu.vector_load_idx %arg5[%parallel_loop3A_111, %parallel_loop3A_121] : memref<24x384xf32, #tpu.memory_space<vmem>>[vector<16xi32>, vector<16xi32>], vector<16xf32>,
          %parallel_loop3A_126 = arith.cmpf oge, %parallel_loop3A_122, %parallel_loop3A_123 : vector<16xf32>
          %parallel_loop3A_127 = arith.cmpf oge, %parallel_loop3A_124, %parallel_loop3A_125 : vector<16xf32>
          %parallel_loop3A_128 = arith.maximumf %parallel_loop3A_122, %parallel_loop3A_123 : vector<16xf32>
          %parallel_loop3A_129 = arith.maximumf %parallel_loop3A_124, %parallel_loop3A_125 : vector<16xf32>
          %parallel_loop3A_130 = arith.cmpf oge, %parallel_loop3A_128, %parallel_loop3A_129 : vector<16xf32>
          %parallel_loop3A_131 = arith.andi %parallel_loop3A_126, %parallel_loop3A_130 : vector<16xi1>
          %parallel_loop3A_132 = arith.select %parallel_loop3A_131, %parallel_loop3A_122, %broadcast_in_dim3A_1 : vector<16xi1>, vector<16xf32>
          tpu.vector_store_idx %arg6[%parallel_loop3A_111, %parallel_loop3A_118], %parallel_loop3A_132 : memref<24x384xf32, #tpu.memory_space<vmem>>[vector<16xi32>, vector<16xi32>], vector<16xf32>,
          %parallel_loop3A_133 = arith.constant dense<true> : vector<16xi1>
          %parallel_loop3A_134 = arith.xori %parallel_loop3A_126, %parallel_loop3A_133 : vector<16xi1>
          %parallel_loop3A_135 = arith.andi %parallel_loop3A_134, %parallel_loop3A_130 : vector<16xi1>
          %parallel_loop3A_136 = arith.select %parallel_loop3A_135, %parallel_loop3A_123, %broadcast_in_dim3A_1 : vector<16xi1>, vector<16xf32>
          tpu.vector_store_idx %arg6[%parallel_loop3A_111, %parallel_loop3A_121], %parallel_loop3A_136 : memref<24x384xf32, #tpu.memory_space<vmem>>[vector<16xi32>, vector<16xi32>], vector<16xf32>,
          %parallel_loop3A_137 = arith.constant dense<true> : vector<16xi1>
          %parallel_loop3A_138 = arith.xori %parallel_loop3A_130, %parallel_loop3A_137 : vector<16xi1>
          %parallel_loop3A_139 = arith.andi %parallel_loop3A_127, %parallel_loop3A_138 : vector<16xi1>
          %parallel_loop3A_140 = arith.select %parallel_loop3A_139, %parallel_loop3A_124, %broadcast_in_dim3A_1 : vector<16xi1>, vector<16xf32>
          tpu.vector_store_idx %arg7[%parallel_loop3A_111, %parallel_loop3A_118], %parallel_loop3A_140 : memref<24x384xf32, #tpu.memory_space<vmem>>[vector<16xi32>, vector<16xi32>], vector<16xf32>,
          %parallel_loop3A_141 = arith.constant dense<true> : vector<16xi1>
          %parallel_loop3A_142 = arith.xori %parallel_loop3A_127, %parallel_loop3A_141 : vector<16xi1>
          %parallel_loop3A_143 = arith.constant dense<true> : vector<16xi1>
          %parallel_loop3A_144 = arith.xori %parallel_loop3A_130, %parallel_loop3A_143 : vector<16xi1>
          %parallel_loop3A_145 = arith.andi %parallel_loop3A_142, %parallel_loop3A_144 : vector<16xi1>
          %parallel_loop3A_146 = arith.select %parallel_loop3A_145, %parallel_loop3A_125, %broadcast_in_dim3A_1 : vector<16xi1>, vector<16xf32>
          tpu.vector_store_idx %arg7[%parallel_loop3A_111, %parallel_loop3A_121], %parallel_loop3A_146 : memref<24x384xf32, #tpu.memory_space<vmem>>[vector<16xi32>, vector<16xi32>], vector<16xf32>,
        } {sc.loop_unroll_factor = 4 : i64, sc.parallel_access}
        "tpu.region"() ({
          %run_scoped3A = tpu.sem_alloc : memref<!tpu.dma_semaphore, #tpu.memory_space<semaphore_mem>>
          %dma_start3A = arith.constant 0 : i32
          %dma_start3A_70 = tpu.memref_slice %arg3[%mul3A_51, %mul3A_62, %dma_start3A] : memref<192x96x384xf32, #tpu.memory_space<hbm>> -> memref<1x24x384xf32, #tpu.memory_space<hbm>>
          %dma_start3A_71 = tpu.memref_squeeze %dma_start3A_70 : memref<1x24x384xf32, #tpu.memory_space<hbm>> -> memref<24x384xf32, #tpu.memory_space<hbm>>
          %dma_start3A_72 = arith.constant 0 : i32
          %dma_start3A_73 = tpu.memref_slice %arg3[%mul3A_51, %mul3A_62, %dma_start3A_72] : memref<192x96x384xf32, #tpu.memory_space<hbm>> -> memref<1x24x384xf32, #tpu.memory_space<hbm>>
          %dma_start3A_74 = tpu.memref_squeeze %dma_start3A_73 : memref<1x24x384xf32, #tpu.memory_space<hbm>> -> memref<24x384xf32, #tpu.memory_space<hbm>>
          tpu.enqueue_dma source(%arg6 : memref<24x384xf32, #tpu.memory_space<vmem>>) target(%dma_start3A_74 : memref<24x384xf32, #tpu.memory_space<hbm>>) target_semaphore(%run_scoped3A : memref<!tpu.dma_semaphore, #tpu.memory_space<semaphore_mem>>)
          %dma_wait3A = arith.constant 0 : i32
          %dma_wait3A_75 = tpu.memref_slice %arg3[%mul3A_51, %mul3A_62, %dma_wait3A] : memref<192x96x384xf32, #tpu.memory_space<hbm>> -> memref<1x24x384xf32, #tpu.memory_space<hbm>>
          %dma_wait3A_76 = tpu.memref_squeeze %dma_wait3A_75 : memref<1x24x384xf32, #tpu.memory_space<hbm>> -> memref<24x384xf32, #tpu.memory_space<hbm>>
          %dma_wait3A_77 = arith.constant 0 : i32
          %dma_wait3A_78 = tpu.memref_slice %arg3[%mul3A_51, %mul3A_62, %dma_wait3A_77] : memref<192x96x384xf32, #tpu.memory_space<hbm>> -> memref<1x24x384xf32, #tpu.memory_space<hbm>>
          %dma_wait3A_79 = tpu.memref_squeeze %dma_wait3A_78 : memref<1x24x384xf32, #tpu.memory_space<hbm>> -> memref<24x384xf32, #tpu.memory_space<hbm>>
          tpu.wait_dma2 semaphore(%run_scoped3A : memref<!tpu.dma_semaphore, #tpu.memory_space<semaphore_mem>>) src(%arg6 : memref<24x384xf32, #tpu.memory_space<vmem>>) dst(%dma_wait3A_79 : memref<24x384xf32, #tpu.memory_space<hbm>>)
          tpu.yield
        }) : () -> ()
        %add3A_67 = arith.constant 1 : i32
        %add3A_68 = arith.addi %mul3A_51, %add3A_67 : i32
        "tpu.region"() ({
          %run_scoped3A = tpu.sem_alloc : memref<!tpu.dma_semaphore, #tpu.memory_space<semaphore_mem>>
          %dma_start3A = arith.constant 0 : i32
          %dma_start3A_70 = tpu.memref_slice %arg3[%add3A_68, %mul3A_62, %dma_start3A] : memref<192x96x384xf32, #tpu.memory_space<hbm>> -> memref<1x24x384xf32, #tpu.memory_space<hbm>>
          %dma_start3A_71 = tpu.memref_squeeze %dma_start3A_70 : memref<1x24x384xf32, #tpu.memory_space<hbm>> -> memref<24x384xf32, #tpu.memory_space<hbm>>
          %dma_start3A_72 = arith.constant 0 : i32
          %dma_start3A_73 = tpu.memref_slice %arg3[%add3A_68, %mul3A_62, %dma_start3A_72] : memref<192x96x384xf32, #tpu.memory_space<hbm>> -> memref<1x24x384xf32, #tpu.memory_space<hbm>>
          %dma_start3A_74 = tpu.memref_squeeze %dma_start3A_73 : memref<1x24x384xf32, #tpu.memory_space<hbm>> -> memref<24x384xf32, #tpu.memory_space<hbm>>
          tpu.enqueue_dma source(%arg7 : memref<24x384xf32, #tpu.memory_space<vmem>>) target(%dma_start3A_74 : memref<24x384xf32, #tpu.memory_space<hbm>>) target_semaphore(%run_scoped3A : memref<!tpu.dma_semaphore, #tpu.memory_space<semaphore_mem>>)
          %dma_wait3A = arith.constant 0 : i32
          %dma_wait3A_75 = tpu.memref_slice %arg3[%add3A_68, %mul3A_62, %dma_wait3A] : memref<192x96x384xf32, #tpu.memory_space<hbm>> -> memref<1x24x384xf32, #tpu.memory_space<hbm>>
          %dma_wait3A_76 = tpu.memref_squeeze %dma_wait3A_75 : memref<1x24x384xf32, #tpu.memory_space<hbm>> -> memref<24x384xf32, #tpu.memory_space<hbm>>
          %dma_wait3A_77 = arith.constant 0 : i32
          %dma_wait3A_78 = tpu.memref_slice %arg3[%add3A_68, %mul3A_62, %dma_wait3A_77] : memref<192x96x384xf32, #tpu.memory_space<hbm>> -> memref<1x24x384xf32, #tpu.memory_space<hbm>>
          %dma_wait3A_79 = tpu.memref_squeeze %dma_wait3A_78 : memref<1x24x384xf32, #tpu.memory_space<hbm>> -> memref<24x384xf32, #tpu.memory_space<hbm>>
          tpu.wait_dma2 semaphore(%run_scoped3A : memref<!tpu.dma_semaphore, #tpu.memory_space<semaphore_mem>>) src(%arg7 : memref<24x384xf32, #tpu.memory_space<vmem>>) dst(%dma_wait3A_79 : memref<24x384xf32, #tpu.memory_space<hbm>>)
          tpu.yield
        }) : () -> ()
        %scan3A_69 = arith.constant 0 : i32
        scf.yield %scan3A_69 : i32
      }
      %scan3A_58 = arith.constant 4 : i32
      scf.yield %scan3A_57 : i32
    }
    %scan3A_7 = arith.constant 3 : i32
    return
  }
}

module attributes {stable_mosaic.version = 14 : i64} {
  func.func @_tc_body(%arg0: i32, %arg1: i32, %arg2: memref<1x16x2x96x384xf32, #tpu.memory_space<vmem>>, %arg3: memref<1x16x2x96x384xf32, #tpu.memory_space<vmem>>) attributes {dimension_semantics = [#tpu.dimension_semantics<arbitrary>, #tpu.dimension_semantics<arbitrary>], iteration_bounds = array<i64: 2, 9>, scalar_prefetch = 0 : i64, scratch_operands = 0 : i64, tpu.core_type = #tpu.core_type<tc>, window_params = [{transform_indices = @transform_0, window_bounds = array<i64: 1, 16, 2, 96, 384>}, {transform_indices = @transform_1, window_bounds = array<i64: 1, 16, 2, 96, 384>}]} {
    %get3A = arith.constant 0 : index
    %get3A_0 = arith.constant 0 : index
    %get3A_1 = arith.constant 0 : index
    %get3A_2 = arith.constant 0 : index
    %get3A_3 = arith.constant 0 : index
    %get3A_4 = vector.load %arg2[%get3A, %get3A_0, %get3A_1, %get3A_2, %get3A_3] : memref<1x16x2x96x384xf32, #tpu.memory_space<vmem>>, vector<1x16x1x96x384xf32>
    %get3A_5 = vector.shape_cast %get3A_4 : vector<1x16x1x96x384xf32> to vector<16x96x384xf32>
    %get3A_6 = arith.constant 0 : index
    %get3A_7 = arith.constant 0 : index
    %get3A_8 = arith.constant 1 : index
    %get3A_9 = arith.constant 0 : index
    %get3A_10 = arith.constant 0 : index
    %get3A_11 = vector.load %arg2[%get3A_6, %get3A_7, %get3A_8, %get3A_9, %get3A_10] : memref<1x16x2x96x384xf32, #tpu.memory_space<vmem>>, vector<1x16x1x96x384xf32>
    %get3A_12 = vector.shape_cast %get3A_11 : vector<1x16x1x96x384xf32> to vector<16x96x384xf32>
    %iota3A = tpu.iota {dimensions = array<i32: 2>} : vector<16x96x384xi32>
    %and3A = arith.constant 1 : i32
    %and3A_13 = vector.broadcast %and3A : i32 to vector<16x96x384xi32>
    %and3A_14 = arith.andi %iota3A, %and3A_13 : vector<16x96x384xi32>
    %eq3A = arith.constant 0 : i32
    %eq3A_15 = vector.broadcast %eq3A : i32 to vector<16x96x384xi32>
    %eq3A_16 = arith.cmpi eq, %and3A_14, %eq3A_15 : vector<16x96x384xi32>
    %roll3A = arith.constant 383 : i32
    %roll3A_17 = tpu.dynamic_rotate %get3A_5 by %roll3A dim 2 : vector<16x96x384xf32>, i32 -> vector<16x96x384xf32>
    %roll3A_18 = arith.constant 1 : i32
    %roll3A_19 = tpu.dynamic_rotate %get3A_5 by %roll3A_18 dim 2 : vector<16x96x384xf32>, i32 -> vector<16x96x384xf32>
    %select_n3A = arith.select %eq3A_16, %roll3A_17, %roll3A_19 : vector<16x96x384xi1>, vector<16x96x384xf32>
    %roll3A_20 = arith.constant 383 : i32
    %roll3A_21 = tpu.dynamic_rotate %get3A_12 by %roll3A_20 dim 2 : vector<16x96x384xf32>, i32 -> vector<16x96x384xf32>
    %roll3A_22 = arith.constant 1 : i32
    %roll3A_23 = tpu.dynamic_rotate %get3A_12 by %roll3A_22 dim 2 : vector<16x96x384xf32>, i32 -> vector<16x96x384xf32>
    %select_n3A_24 = arith.select %eq3A_16, %roll3A_21, %roll3A_23 : vector<16x96x384xi1>, vector<16x96x384xf32>
    %gt3A = arith.cmpf ogt, %get3A_5, %select_n3A : vector<16x96x384xf32>
    %eq3A_25 = arith.cmpf oeq, %get3A_5, %select_n3A : vector<16x96x384xf32>
    %and3A_26 = arith.andi %eq3A_16, %eq3A_25 : vector<16x96x384xi1>
    %or3A = arith.ori %gt3A, %and3A_26 : vector<16x96x384xi1>
    %gt3A_27 = arith.cmpf ogt, %get3A_12, %select_n3A_24 : vector<16x96x384xf32>
    %eq3A_28 = arith.cmpf oeq, %get3A_12, %select_n3A_24 : vector<16x96x384xf32>
    %and3A_29 = arith.andi %eq3A_16, %eq3A_28 : vector<16x96x384xi1>
    %or3A_30 = arith.ori %gt3A_27, %and3A_29 : vector<16x96x384xi1>
    %max3A = arith.maximumf %get3A_5, %select_n3A : vector<16x96x384xf32>
    %max3A_31 = arith.maximumf %get3A_12, %select_n3A_24 : vector<16x96x384xf32>
    %ge3A = arith.cmpf oge, %max3A, %max3A_31 : vector<16x96x384xf32>
    %and3A_32 = arith.andi %or3A, %ge3A : vector<16x96x384xi1>
    %jit3A = arith.constant 0.000000e+00 : f32
    %broadcast_in_dim3A = vector.broadcast %jit3A : f32 to vector<16x96x384xf32>
    %select_n3A_33 = arith.select %and3A_32, %get3A_5, %broadcast_in_dim3A : vector<16x96x384xi1>, vector<16x96x384xf32>
    %swap3A = arith.constant 0 : index
    %swap3A_34 = arith.constant 0 : index
    %swap3A_35 = arith.constant 0 : index
    %swap3A_36 = arith.constant 0 : index
    %swap3A_37 = arith.constant 0 : index
    %swap3A_38 = vector.load %arg3[%swap3A, %swap3A_34, %swap3A_35, %swap3A_36, %swap3A_37] : memref<1x16x2x96x384xf32, #tpu.memory_space<vmem>>, vector<1x16x1x96x384xf32>
    %swap3A_39 = vector.shape_cast %swap3A_38 : vector<1x16x1x96x384xf32> to vector<16x96x384xf32>
    %swap3A_40 = vector.shape_cast %select_n3A_33 : vector<16x96x384xf32> to vector<1x16x1x96x384xf32>
    tpu.vector_store %arg3[%swap3A, %swap3A_34, %swap3A_35, %swap3A_36, %swap3A_37], %swap3A_40 {strides = array<i32>} : memref<1x16x2x96x384xf32, #tpu.memory_space<vmem>>, vector<1x16x1x96x384xf32>,
    %not3A = arith.constant dense<true> : vector<16x96x384xi1>
    %not3A_41 = arith.xori %ge3A, %not3A : vector<16x96x384xi1>
    %and3A_42 = arith.andi %or3A_30, %not3A_41 : vector<16x96x384xi1>
    %jit3A_43 = arith.constant 0.000000e+00 : f32
    %broadcast_in_dim3A_44 = vector.broadcast %jit3A_43 : f32 to vector<16x96x384xf32>
    %select_n3A_45 = arith.select %and3A_42, %get3A_12, %broadcast_in_dim3A_44 : vector<16x96x384xi1>, vector<16x96x384xf32>
    %swap3A_46 = arith.constant 0 : index
    %swap3A_47 = arith.constant 0 : index
    %swap3A_48 = arith.constant 1 : index
    %swap3A_49 = arith.constant 0 : index
    %swap3A_50 = arith.constant 0 : index
    %swap3A_51 = vector.load %arg3[%swap3A_46, %swap3A_47, %swap3A_48, %swap3A_49, %swap3A_50] : memref<1x16x2x96x384xf32, #tpu.memory_space<vmem>>, vector<1x16x1x96x384xf32>
    %swap3A_52 = vector.shape_cast %swap3A_51 : vector<1x16x1x96x384xf32> to vector<16x96x384xf32>
    %swap3A_53 = vector.shape_cast %select_n3A_45 : vector<16x96x384xf32> to vector<1x16x1x96x384xf32>
    tpu.vector_store %arg3[%swap3A_46, %swap3A_47, %swap3A_48, %swap3A_49, %swap3A_50], %swap3A_53 {strides = array<i32>} : memref<1x16x2x96x384xf32, #tpu.memory_space<vmem>>, vector<1x16x1x96x384xf32>,
    return
  }
  func.func @transform_0(%arg0: i32, %arg1: i32) -> (i32, i32, i32, i32, i32) {
    %c0_i32 = arith.constant 0 : i32
    %c0_i32_0 = arith.constant 0 : i32
    %c0_i32_1 = arith.constant 0 : i32
    %c0_i32_2 = arith.constant 0 : i32
    return %arg0, %arg1, %c0_i32, %c0_i32_0, %c0_i32_1 : i32, i32, i32, i32, i32
  }
  func.func @transform_1(%arg0: i32, %arg1: i32) -> (i32, i32, i32, i32, i32) {
    %c0_i32 = arith.constant 0 : i32
    %c0_i32_0 = arith.constant 0 : i32
    %c0_i32_1 = arith.constant 0 : i32
    %c0_i32_2 = arith.constant 0 : i32
    return %arg0, %arg1, %c0_i32, %c0_i32_0, %c0_i32_1 : i32, i32, i32, i32, i32
  }
}

</mosaic_0001>

<sc_bundles>
// kernel: kernel.4.cloned.1.call-start
scs
__scs_entry_jumppad:
0x0: {  	(pc) =	sbr.rel $0x88, $3  }
0x1: {  	(tag) =	ssettag $0x0;
	lr =	simm.s32 $0x1  }
0x2: {  	[smem:$0x3FA0] =	sst lr;
	_ =	strace $0xD0000000  }
0x3: {  	_ = 	snop  }
0x4: {  	_ = 	snop  }
0x5: {  	_ = 	snop  }
0x6: {  	_ = 	snop  }
0x7: {  	_ = 	snop  }
__scs_overlays_trampoline_lowered:
0x8: {  	[smem:$0x3FAF] =	sst s0  }
0x9: {  	[smem:$0x3FB0] =	sst s1  }
0xa: {  	[smem:$0x3FB1] =	sst s2  }
0xb: {  	[smem:$0x3FB2] =	sst s3  }
0xc: {  	[smem:$0x3FB3] =	sst s4  }
0xd: {  	[smem:$0x3FB4] =	sst s5  }
0xe: {  	[smem:$0x3FB5] =	sst s6  }
0xf: {  	[smem:$0x3FB6] =	sst s7  }
0x10: {  	[smem:$0x3FB7] =	sst s8  }
0x11: {  	[smem:$0x3FB8] =	sst s9;
	s0 =	simm.s32 @!p0 $0x0  }
0x12: {  	s1 =	sld [smem:$0x3F9E];
	s0 =	simm.s32 @p0 $0x1  }
0x13: {  	[smem:$0x3FB9] =	sst s0;
	s0 =	simm.s32 @!p1 $0x0  }
0x14: {  	s2 =	sld [smem:$0x3F9D];
	s0 =	simm.s32 @p1 $0x1  }
0x15: {  	[smem:$0x3FBA] =	sst s0;
	s0 =	simm.s32 @!p2 $0x0  }
0x16: {  	s3 =	sld [smem:$0x3FDB];
	s0 =	simm.s32 @p2 $0x1  }
0x17: {  	s4 =	simm.s32 $0x1BF5;
	[smem:$0x3FBC] =	sst s0  }
0x18: {  	s0 =	sld [smem:$0x3F9F];
	_ =	swait.ge [sflag:s4], $0x0  }
0x19: {  	s7 =	sld [smem:$0x3FA0]  }
0x1a: {  	s8 =	sadd.s32 $0xFFFFE003, lr  }
0x1b: {  	s9 =	sadd.s32 $0xFFFFFEF7, lr;
	s5 =	simm.s32 $0xFFFFFFFF;
	p2 =	slt.u32 s8, $0xFFFFF086  }
0x1c: {  	p1 =	slt.u32 s9, $0xF7A;
	s5 =	simm.s32 @!p2 $0x0  }
0x1d: {  	s5 =	simm.s32 @p1 $0x1;
	p0 =	seq.s32 s7, s2  }
0x1e: {  	s7 =	smul.u32 @!p0 $0xF7A, s2;
	p2 =	seq.s32 @!p0 s5, $0x0  }
0x1f: {  	s9 =	smul.u32 $0xF7A, s1;
	s8 =	simm.s32 @!p0 $0x1BF5;
	p2 =	por !p2, p0  }
0x20: {  	[sflag:s8] =	ssyncset.s32 @!p0 $0xFFFFF086;
	s6 =	sadd.s32 @!p0 s3, s7;
	s7 =	simm.s32 @!p0 $0x108  }
0x21: {  	s3 =	sadd.s32 s3, s9;
	s6 =	sadd.s32 @!p0 $0x88, s6;
	s7 =	simm.s32 @p2 $0x1082  }
0x22: {  	[simem:s7], [sflag:s8] =	dma.local @!p0 [hbm:s6], $0xF7A  }
0x23: {  	s9 =	sor.u32 $0xD0000000, s2;
	s6 =	simm.s32 $0x108;
	_ =	swait.ge @!p0 [sflag:s8], $0x0  }
0x24: {  	s3 =	sadd.s32 $0x88, s3;
	s6 =	simm.s32 @!p1 $0x1082;
	[sflag:s4] =	ssyncset.s32 $0xFFFFF086  }
0x25: {  	[simem:s6], [sflag:s4] =	dma.local [hbm:s3], $0xF7A  }
0x26: {  	[smem:$0x3FA0] =	sst s1;
	(tag) =	ssettag s2;
	_ =	strace s9  }
0x27: {  	s1 =	sld [smem:$0x3FB0]  }
0x28: {  	s2 =	sld [smem:$0x3FB1]  }
0x29: {  	s4 =	sld [smem:$0x3FB3]  }
0x2a: {  	p0 =	seq.s32 s5, $0x0;
	s5 =	sld [smem:$0x3FB4]  }
0x2b: {  	s6 =	sld [smem:$0x3FB5]  }
0x2c: {  	s7 =	sld [smem:$0x3FB6]  }
0x2d: {  	s3 =	simm.s32 $0x108;
	s8 =	sld [smem:$0x3FB7]  }
0x2e: {  	s3 =	simm.s32 @!p0 $0x1082;
	s9 =	sld [smem:$0x3FB8]  }
0x2f: {  	lr =	sadd.s32 s0, s3;
	s0 =	sld [smem:$0x3FAF]  }
0x30: {  	s3 =	sld [smem:$0x3FB2]  }
0x31: {  	[smem:$0x3FBB] =	sst s10  }
0x32: {  	s10 =	sld [smem:$0x3FB9];
	_ =	sdelay $0x3  }
0x33: {  	p0 =	seq.s32 s10, $0x1;
	s10 =	sld [smem:$0x3FBB];
	_ =	sdelay $0x3  }
0x34: {  	[smem:$0x3FBB] =	sst s10  }
0x35: {  	s10 =	sld [smem:$0x3FBA];
	_ =	sdelay $0x3  }
0x36: {  	p1 =	seq.s32 s10, $0x1;
	s10 =	sld [smem:$0x3FBB];
	_ =	sdelay $0x3  }
0x37: {  	[smem:$0x3FBB] =	sst s10  }
0x38: {  	s10 =	sld [smem:$0x3FBC]  }
0x39: {  	_ = 	snop;
	(pc) =	sbr.ind lr, $3  }
0x3a: {  	_ = 	snop  }
0x3b: {  	_ = 	snop  }
0x3c: {  	p2 =	seq.s32 s10, $0x1;
	s10 =	sld [smem:$0x3FBB]  }
0x3d: {  	_ =	shalt  }
0x3e: {  	_ =	shalt  }
0x3f: {  	_ =	shalt  }
0x40: {  	_ =	shalt  }
0x41: {  	_ =	shalt  }
0x42: {  	_ =	shalt  }
0x43: {  	_ =	shalt  }
0x44: {  	_ =	shalt  }
0x45: {  	_ =	shalt  }
0x46: {  	_ =	shalt  }
0x47: {  	_ =	shalt  }
0x48: {  	_ =	shalt  }
0x49: {  	_ =	shalt  }
0x4a: {  	_ =	shalt  }
0x4b: {  	_ =	shalt  }
0x4c: {  	_ =	shalt  }
0x4d: {  	_ =	shalt  }
0x4e: {  	_ =	shalt  }
0x4f: {  	_ =	shalt  }
0x50: {  	_ =	shalt  }
0x51: {  	_ =	shalt  }
0x52: {  	_ =	shalt  }
0x53: {  	_ =	shalt  }
0x54: {  	_ =	shalt  }
0x55: {  	_ =	shalt  }
0x56: {  	_ =	shalt  }
0x57: {  	_ =	shalt  }
0x58: {  	_ =	shalt  }
0x59: {  	_ =	shalt  }
0x5a: {  	_ =	shalt  }
0x5b: {  	_ =	shalt  }
0x5c: {  	_ =	shalt  }
0x5d: {  	_ =	shalt  }
0x5e: {  	_ =	shalt  }
0x5f: {  	_ =	shalt  }
0x60: {  	_ =	shalt  }
0x61: {  	_ =	shalt  }
0x62: {  	_ =	shalt  }
0x63: {  	_ =	shalt  }
0x64: {  	_ =	shalt  }
0x65: {  	_ =	shalt  }
0x66: {  	_ =	shalt  }
0x67: {  	_ =	shalt  }
0x68: {  	_ =	shalt  }
0x69: {  	_ =	shalt  }
0x6a: {  	_ =	shalt  }
0x6b: {  	_ =	shalt  }
0x6c: {  	_ =	shalt  }
0x6d: {  	_ =	shalt  }
0x6e: {  	_ =	shalt  }
0x6f: {  	_ =	shalt  }
0x70: {  	_ =	shalt  }
0x71: {  	_ =	shalt  }
0x72: {  	_ =	shalt  }
0x73: {  	_ =	shalt  }
0x74: {  	_ =	shalt  }
0x75: {  	_ =	shalt  }
0x76: {  	_ =	shalt  }
0x77: {  	_ =	shalt  }
0x78: {  	_ =	shalt  }
0x79: {  	_ =	shalt  }
0x7a: {  	_ =	shalt  }
0x7b: {  	_ =	shalt  }
0x7c: {  	_ =	shalt  }
0x7d: {  	_ =	shalt  }
0x7e: {  	_ =	shalt  }
0x7f: {  	_ =	shalt  }
0x80: {  	_ =	shalt  }
0x81: {  	_ =	shalt  }
0x82: {  	_ =	shalt  }
0x83: {  	_ =	shalt  }
0x84: {  	_ =	shalt  }
0x85: {  	_ =	shalt  }
0x86: {  	_ =	shalt  }
0x87: {  	_ =	shalt  }
.Lfunc_end0:
.L_simem_size_0:
called_computation_lowered:
.L_overlay_start_0:
0x88: {  	s2 =	sld [smem:$0x3FD9]  }
0x89: {  	s3 =	sld [smem:$0x3FFE];
	_ =	sdelay $0x1  }
0x8a: {  	s1 =	srdreg.scid  }
0x8b: {  	s0 =	sand.u32 $0x1, s1  }
0x8c: {  	s17 =	sshll.u32 s0, $0xA;
	s2 =	sadd.s32 s3, s2  }
0x8d: {  	s2 =	sadd.s32 s2, s17  }
0x8e: {  	[smem:$0x3FC7] =	sst s2  }
0x8f: {  	_ = 	snop  }
0x90: {  	s2 =	sld [smem:$0x3FC9];
	(tm) =	ssettm $0x1  }
0x91: {  	s18 =	sld [smem:$0x3FFB];
	_ =	sdelay $0x3  }
0x92: {  	_ =	strace s18  }
0x93: {  	s3 =	sld [smem:$0x3FFC];
	_ =	sdelay $0x3  }
0x94: {  	_ =	strace s3  }
0x95: {  	s3 =	sld [smem:$0x3FFD];
	_ =	sdelay $0x3  }
0x96: {  	_ =	strace s3  }
0x97: {  	_ =	strace $0x8FFFFFFF  }
0x98: {  	s19 =	sld [smem:$0x3FDB];
	_ =	sdelay $0x1  }
0x99: {  	s4 =	simm.s32 $_scs_section_size  }
0x9a: {  	s5 =	simm.s32 $_size__tile_overlayer_lowered;
	s6 =	simm.s32 $_tile_overlayer_lowered  }
0x9b: {  	s22 =	simm.s32 $0x1BFF;
	s21 =	sshll.u32 s6, $0x1;
	s3 =	sadd.s32 s4, s19  }
0x9c: {  	s7 =	simm.s32 $0x0;
	s20 =	sshll.u32 s5, $0x1;
	s5 =	sadd.s32 s21, s3  }
0x9d: {  	[timem:s7], [sflag:s22] =	dma.local [hbm:s5], s20  }
0x9e: {  	_ =	swait.ge [sflag:s22], s20  }
0x9f: {  	s4 =	ssub.s32 $0x0, s20;
	[sflag:s22] =	ssyncset.done $0x0  }
0xa0: {  	[sflag:s22] =	ssyncadd.s32 s4;
	_ =	sdelay $0x1  }
0xa1: {  	s23 =	simm.s32 $0x1B8B  }
0xa2: {  	_ =	swait.ge [sflag:s23], $0x1  }
0xa3: {  	[sflag:s23] =	ssyncset.done $0x0  }
0xa4: {  	s25 =	simm.s32 $0x1B8E;
	s24 =	sld [smem:$0x3FFE];
	[sflag:s23] =	ssyncadd.s32 $0xFFFFFFFF  }
0xa5: {  	s26 =	simm.s32 $execute0_lowered;
	[smem:$0x3FD2] =	sst s25  }
0xa6: {  	s5 =	sshll.u32 s26, $0x1;
	_ =	strace $0x80000046;
	[dreg:$0x1] =	wrdreg $0xFFFFFFFF  }
0xa7: {  	s28 =	simm.s32 $_size_execute0_lowered;
	s3 =	sadd.s32 s3, s5;
	[dreg:$0x0] =	wrdreg $0x0  }
0xa8: {  	s5 =	sshll.u32 s28, $0x1;
	[dreg:$0x2] =	wrdreg s3  }
0xa9: {  	[dreg:$0x3] =	wrdreg s5  }
0xaa: {  	[dreg:$0x4] =	wrdreg $0xC0  }
0xab: {  	_ =	task [dreg:s7], $0x5FFFF  }
0xac: {  	[dreg:$0x1] =	wrdreg $0xFFFFFFFF  }
0xad: {  	[dreg:$0x0] =	wrdreg $0x60  }
0xae: {  	[dreg:$0x2] =	wrdreg s2  }
0xaf: {  	[dreg:$0x3] =	wrdreg s24  }
0xb0: {  	[dreg:$0x4] =	wrdreg $0x9  }
0xb1: {  	_ =	task.clear_ibuf [dreg:s7], $0x5FFFF;
	_ =	strace $0x90000046  }
0xb2: {  	s29 =	simm.s32 $0x9;
	_ =	strace $0x80000048  }
0xb3: {  	_ =	swait.ge [sflag:s29], $0x1  }
0xb4: {  	[sflag:s29] =	ssyncadd.s32 $0xFFFFFFFF  }
0xb5: {  	_ =	strace $0x90000048  }
0xb6: {  	_ =	sfence  }
0xb7: {  	s30 =	sld [smem:$0x0];
	_ =	sdelay $0x2  }
0xb8: {  	s31 =	sshll.u32 s1, $0xD;
	s1 =	sshrl.u32 s1, $0x2  }
0xb9: {  	s3 =	sand.u32 $0x4000, s31;
	s1 =	sadd.s32 s1, s30  }
0xba: {  	s0 =	sor.u32 s3, s0;
	s1 =	sshll.u32 s1, $0x11  }
0xbb: {  	s0 =	sor.u32 s1, s0  }
0xbc: {  	s0 =	sadd.s32 $0x8F2B, s0  }
0xbd: {  	[sflag:s0] =	ssyncadd.remote.s32 $0x1  }
0xbe: {  	_ =	sfence.sel $0xFFFF  }
0xbf: {  	[dreg:$0x0] =	wrdreg $0xFFFFFFFF;
	(pc) =	sbr.abs _section_cstart, $3  }
0xc0: {  	[dreg:$0x1] =	wrdreg $0xFFFFFFFF  }
0xc1: {  	_ =	task.clear_ibuf [dreg:s7], $0x2FFFF;
	_ =	strace $0x9FFFFFFF  }
0xc2: {  	(tm) =	ssettm $0x7FFFFFFF  }
0xc3: {  	_ =	shalt  }
tec
execute0_lowered:
.L_overlay_start_1:
0x0: {  	(tag) =	ssettag $0x1  }
0x1: {  	s1 =	rddreg [dreg:$0x0]  }
0x2: {  	s4 =	rddreg [dreg:$0x1]  }
0x3: {  	s0 =	rddreg [dreg:$0x2];
	s5 =	srdreg.scid  }
0x4: {  	s3 =	simm.s32 $0x0;
	s2 =	stileid.u32;
	s9 =	simm.s32 $0x4800  }
0x5: {  	s10 =	simm.s32 $0x6C00;
	s11 =	simm.s32 $0x0;
	s5 =	sand.u32 $0x1, s5  }
0x6: {  	v0 =	vlaneseq.u32;
	[smem:$0x7FF] =	sst s3;
	s7 =	sshll.u32 s2, $0x1;
	s6 =	ssub.s32 $0x2, s5  }
0x7: {  	s4 =	sadd.s32 $0x400, s4;
	v0 =	vmul.u32 $0x2, v0;
	_ =	strace $0x80000047;
	s8 =	sshrl.u32 s6, $0x1  }
0x8: {  	s5 =	sor.u32 s5, s7;
	s7 =	simm.s32 $0x1;
	s6 =	ssub.s32 s6, s8  }
0x9: {  	s5 =	smul.u32 $0x3, s5;
	v1 =	vor.u32 $0x1, v0;
	v2 =	vor.u32 $0x60, v0;
	v3 =	vor.u32 $0x61, v0;
	s8 =	simm.s32 $0x2400;
	s6 =	smax.u32 s6, $0x1  }
.LBB2_1:
0xa: {  	s12 =	simm.s32 $0x0  }
.LBB2_2:
0xb: {  	s13 =	sadd.s32 s5, s12  }
0xc: {  	s14 =	smulhi.u32 $0xAAAAAAAB, s13;
	_ =	sdelay $0x1  }
0xd: {  	s14 =	sshrl.u32 s14, $0x5  }
0xe: {  	s15 =	smul.u32 $0x30, s14;
	_ =	sdelay $0x1  }
0xf: {  	s14 =	smul.u32 $0x180, s14;
	s15 =	ssub.s32 s13, s15  }
0x10: {  	s15 =	sshll.u32 s15, $0x1  }
0x11: {  	s13 =	smul.u32 $0x12000, s13;
	s14 =	sor.u32 s14, s15  }
0x12: {  	s15 =	smul.u32 $0x9000, s14  }
0x13: {  	s17 =	simm.s32 $0x0  }
0x14: {  	s16 =	sadd.s32 $0x9000, s13;
	s14 =	sadd.s32 $0xA20000, s15;
	s15 =	sadd.s32 $0xA29000, s15  }
.LBB2_3:
0x15: {  	s19 =	simm.s32 $0x0  }
0x16: {  	s21 =	sor.u32 $0x3, s19  }
0x17: {  	s22 =	sand.u32 $0xFFFF, s21  }
0x18: {  	s22 =	smul.u32 $0xAAAB, s22;
	_ =	sdelay $0x1  }
0x19: {  	s18 =	smul.u32 $0x2400, s17;
	s22 =	sshrl.u32 s22, $0x13  }
0x1a: {  	s26 =	sor.u32 $0x2, s19;
	s22 =	smul.u32 $0xC, s22  }
0x1b: {  	s24 =	smul.u32 $0xAAAB, s19;
	s23 =	sand.u32 $0xFFFF, s26  }
0x1c: {  	s23 =	smul.u32 $0xAAAB, s23;
	s21 =	ssub.s32 s21, s22  }
0x1d: {  	s20 =	sadd.s32 s14, s18;
	s21 =	sshll.u32 s21, $0x5  }
0x1e: {  	s20 =	sshrl.u32 s20, $0x3;
	s24 =	sshrl.u32 s24, $0x13;
	s28 =	sshrl.u32 s23, $0x13;
	v4 =	vmov s21  }
0x1f: {  	s19 =	sor.u32 $0x1, s19;
	s20 =	sadd.s32 s1, s20;
	v5 =	vmov s24;
	s22 =	smul.u32 $0xC, s28;
	v4 =	vshll.u32 v4, $0x3  }
0x20: {  	[tilespmem:s3], [sflag:$0x1] =	stream.linear.gather [hbm4b:s20+s3], $0x2400, $0x38;
	v6 =	vshrl.u32 v5, $0x3;
	v4 =	vand.u32 $0xC00, v4;
	[tilespmem:$0x9000] =	vst v63  }
0x21: {  	s29 =	sand.u32 $0xFFFF, s19;
	v8 =	vmul.u32 $0xC00, v6;
	s20 =	ssub.s32 s26, s22;
	v4 =	vbroadcast v4, $0x0  }
0x22: {  	s31 =	sadd.s32 s15, s18;
	s30 =	smul.u32 $0xAAAB, s29;
	v5 =	vshll.u32 v5, $0x7;
	s20 =	sshll.u32 s20, $0x5  }
0x23: {  	s25 =	sshrl.u32 s31, $0x3;
	_ =	swait.ge [sflag:s7], $0x2400;
	v9 =	vand.u32 $0x380, v5;
	s20 =	sand.u32 $0xFFE0, s20;
	v4 =	vadd.s32 v8, v4  }
0x24: {  	[sflag:s7] =	ssyncset.done $0x0;
	s21 =	sshrl.u32 s30, $0x13;
	s26 =	smul.u32 $0xC, s24;
	v5 =	vmov s20;
	v4 =	vor.u32 v9, v4  }
0x25: {  	[sflag:s7] =	ssyncadd.s32 $0xFFFFDC00;
	s22 =	sadd.s32 s1, s25;
	s21 =	smul.u32 $0xC, s21;
	v6 =	vor.u32 s20, v0;
	v5 =	vshll.u32 v5, $0x3;
	v10 =	vor.u32 v3, v4  }
0x26: {  	[tilespmem:s8], [sflag:$0x1] =	stream.linear.gather [hbm4b:s22+s3], $0x2400, $0x38;
	v6 =	vand.u32 $0x7E, v6;
	v5 =	vand.u32 $0xC00, v5;
	v16 =	vor.u32 v2, v4;
	[tilespmem:$0x9000] =	vst v63  }
0x27: {  	_ =	swait.ge [sflag:s7], $0x2400;
	v6 =	vor.u32 v6, v9;
	v5 =	vadd.s32 v8, v5  }
0x28: {  	s19 =	ssub.s32 s19, s21;
	s21 =	ssub.s32 $0x0, s26;
	[sflag:s7] =	ssyncset.done $0x0;
	v11 =	vor.u32 s20, v1;
	v6 =	vor.u32 v5, v6  }
0x29: {  	s19 =	sshll.u32 s19, $0x5;
	s21 =	sshll.u32 s21, $0x5;
	[sflag:s7] =	ssyncadd.s32 $0xFFFFDC00;
	v11 =	vand.u32 $0x7F, v11  }
0x2a: {  	s19 =	sand.u32 $0xFFE0, s19;
	s28 =	sand.u32 $0xFFE0, s21;
	v11 =	vor.u32 v11, v9;
	v13 =	vld.idx.msk [tilespmem:v10+s8+$0x0], $0xffff  }
0x2b: {  	v12 =	vmov s28;
	v4 =	vmov s19;
	v5 =	vor.u32 v5, v11;
	v17 =	vld.idx.msk [tilespmem:v16+s8+$0x0], $0xffff  }
0x2c: {  	v7 =	vor.u32 s19, v0;
	v11 =	vshll.u32 v12, $0x3;
	v4 =	vshll.u32 v4, $0x3;
	v12 =	vld.idx.msk [tilespmem:v10+s3+$0x0], $0xffff  }
0x2d: {  	v14 =	vor.u32 s19, v1;
	v7 =	vand.u32 $0x7E, v7;
	v4 =	vand.u32 $0xC00, v4;
	v15 =	vld.idx.msk [tilespmem:v6+s8+$0x0], $0xffff  }
0x2e: {  	v14 =	vand.u32 $0x7F, v14;
	v7 =	vor.u32 v7, v9;
	v4 =	vadd.s32 v8, v4;
	v18 =	vld.idx.msk [tilespmem:v16+s3+$0x0], $0xffff  }
0x2f: {  	v11 =	vbroadcast v11, $0x0;
	v14 =	vor.u32 v14, v9;
	v7 =	vor.u32 v4, v7;
	v19 =	vld.idx.msk [tilespmem:v6+s3+$0x0], $0xffff  }
0x30: {  	v4 =	vor.u32 v4, v14;
	v20 =	vld.idx.msk [tilespmem:v5+s3+$0x0], $0xffff  }
0x31: {  	v8 =	vadd.s32 v11, v8;
	v21 =	vld.idx.msk [tilespmem:v5+s8+$0x0], $0xffff  }
0x32: {  	v9 =	vadd.s32 v9, v8  }
0x33: {  	s19 =	simm.s32 $0x4;
	v8 =	vor.u32 v1, v9;
	v14 =	vor.u32 v0, v9;
	vm0 =	vge.f32 v17, v13  }
0x34: {  	s31 =	sor.u32 $0x2, s19;
	v29 =	vld.idx.msk [tilespmem:v7+s3+$0x0], $0xffff;
	v22 =	vmax.f32 v17, v13;
	vm1 =	vge.f32 v18, v12;
	v23 =	vmax.f32 v18, v12  }
0x35: {  	s28 =	sand.u32 $0xFFFF, s31;
	v9 =	vld.idx.msk [tilespmem:v4+s8+$0x0], $0xffff;
	vm6 =	vge.f32 v19, v20;
	vm0 =	vmneg vm0;
	vm3 =	vmneg vm1  }
0x36: {  	s29 =	sor.u32 $0x3, s19;
	s24 =	smul.u32 $0xAAAB, s28;
	v11 =	vld.idx.msk [tilespmem:v7+s8+$0x0], $0xffff;
	vm4 =	vge.f32 v23, v22;
	v22 =	vmax.f32 v15, v21;
	v23 =	vmax.f32 v19, v20  }
0x37: {  	s30 =	smul.u32 $0xAAAB, s19;
	s26 =	sand.u32 $0xFFFF, s29;
	v32 =	vld.idx.msk [tilespmem:v4+s3+$0x0], $0xffff;
	vm2 =	vmneg vm4;
	vm5 =	vmor vm0, vm4;
	vm1 =	vmand vm1, vm4  }
0x38: {  	s23 =	smul.u32 $0xAAAB, s26;
	s24 =	sshrl.u32 s24, $0x13;
	vm7 =	vge.f32 v23, v22;
	vm3 =	vmand vm4, vm3;
	v24 =	vnsel vm1, $0x0, v18  }
0x39: {  	s21 =	sshrl.u32 s30, $0x13;
	s24 =	smul.u32 $0xC, s24;
	v25 =	vld.idx.msk [tilespmem:v8+s8+$0x0], $0xffff;
	vm1 =	vmneg vm6;
	vm4 =	vmneg vm7;
	vm6 =	vmand vm6, vm7  }
0x3a: {  	v26 =	vld.idx.msk [tilespmem:v14+s8+$0x0], $0xffff;
	v23 =	vsel vm5, $0x0, v17;
	vm5 =	vge.f32 v15, v21;
	v17 =	vmov s21  }
0x3b: {  	s23 =	sshrl.u32 s23, $0x13;
	s22 =	ssub.s32 s31, s24;
	vm0 =	vmand vm0, vm2;
	v18 =	vmax.f32 v11, v9;
	v27 =	vnsel vm6, $0x0, v19  }
0x3c: {  	s23 =	smul.u32 $0xC, s23;
	s22 =	sshll.u32 s22, $0x5;
	v31 =	vld.idx.msk [tilespmem:v14+s3+$0x0], $0xffff;
	vm1 =	vmand vm7, vm1;
	v19 =	vnsel vm3, $0x0, v12;
	v12 =	vmax.f32 v29, v32  }
0x3d: {  	v34 =	vld.idx.msk [tilespmem:v8+s3+$0x0], $0xffff;
	s30 =	sand.u32 $0xFFE0, s22;
	vm8 =	vmneg vm5;
	v28 =	vshrl.u32 v17, $0x3;
	vm5 =	vge.f32 v11, v9  }
0x3e: {  	s25 =	sor.u32 $0x1, s19;
	s20 =	ssub.s32 s29, s23;
	v17 =	vshll.u32 v17, $0x7;
	v33 =	vnsel vm0, $0x0, v13;
	v13 =	vmov s30  }
0x3f: {  	s29 =	sand.u32 $0xFFFF, s25;
	s20 =	sshll.u32 s20, $0x5;
	v22 =	vmax.f32 v26, v25;
	vm6 =	vge.f32 v26, v25;
	vm3 =	vmor vm8, vm7  }
0x40: {  	s23 =	smul.u32 $0xAAAB, s29;
	vm2 =	vge.f32 v12, v18;
	v35 =	vand.u32 $0x380, v17;
	v12 =	vmov s20  }
0x41: {  	v36 =	vmul.u32 $0xC00, v28;
	vm4 =	vmand vm8, vm4;
	v13 =	vshll.u32 v13, $0x3  }
0x42: {  	s31 =	sshrl.u32 s23, $0x13;
	v18 =	vor.u32 s30, v0;
	v28 =	vmax.f32 v31, v34;
	vm5 =	vmneg vm5  }
0x43: {  	s22 =	smul.u32 $0xC, s31;
	vm8 =	vge.f32 v31, v34;
	v20 =	vnsel vm1, $0x0, v20;
	vm0 =	vmneg vm2  }
0x44: {  	v12 =	vshll.u32 v12, $0x3;
	v17 =	vnsel vm4, $0x0, v21;
	vm4 =	vge.f32 v29, v32  }
0x45: {  	s22 =	ssub.s32 s25, s22;
	v13 =	vand.u32 $0xC00, v13;
	vm6 =	vmneg vm6;
	v12 =	vand.u32 $0xC00, v12  }
0x46: {  	s22 =	sshll.u32 s22, $0x5;
	v18 =	vand.u32 $0x7E, v18;
	vm7 =	vge.f32 v28, v22;
	v12 =	vbroadcast v12, $0x0  }
0x47: {  	s22 =	sand.u32 $0xFFE0, s22;
	vm9 =	vmneg vm8;
	v21 =	vadd.s32 v36, v13;
	v18 =	vor.u32 v18, v35  }
0x48: {  	v30 =	vmov s22;
	v18 =	vor.u32 v21, v18;
	v12 =	vadd.s32 v36, v12  }
0x49: {  	s21 =	smul.u32 $0xC, s21;
	[tilespmem:v16+s9+$0x0] =	vst.idx.msk $0xffff, v24;
	v22 =	vor.u32 s22, v0;
	vm0 =	vmand vm5, vm0;
	v12 =	vor.u32 v35, v12  }
0x4a: {  	[tilespmem:v10+s9+$0x0] =	vst.idx.msk $0xffff, v19;
	vm8 =	vmand vm8, vm7;
	v13 =	vor.u32 v2, v12;
	v12 =	vor.u32 v3, v12  }
0x4b: {  	s21 =	ssub.s32 $0x4, s21;
	[tilespmem:v16+s10+$0x0] =	vst.idx.msk $0xffff, v23;
	v38 =	vor.u32 s22, v1;
	vm9 =	vmand vm7, vm9;
	v28 =	vshll.u32 v30, $0x3  }
0x4c: {  	s21 =	sshll.u32 s21, $0x5;
	[tilespmem:v10+s10+$0x0] =	vst.idx.msk $0xffff, v33;
	vm1 =	vmneg vm7;
	v22 =	vand.u32 $0x7E, v22;
	v24 =	vand.u32 $0xC00, v28  }
0x4d: {  	s21 =	sand.u32 $0xFFE0, s21;
	v22 =	vor.u32 v22, v35;
	v28 =	vor.u32 s30, v1;
	v24 =	vadd.s32 v36, v24;
	v10 =	vld.idx.msk [tilespmem:v18+s8+$0x0], $0xffff  }
0x4e: {  	v30 =	vmov s21;
	v28 =	vand.u32 $0x7F, v28;
	v22 =	vor.u32 v24, v22;
	v33 =	vld.idx.msk [tilespmem:v18+s3+$0x0], $0xffff  }
0x4f: {  	vm7 =	vmor vm6, vm7;
	v16 =	vshll.u32 v30, $0x3;
	v37 =	vor.u32 v28, v35;
	v19 =	vld.idx.msk [tilespmem:v12+s8+$0x0], $0xffff  }
0x50: {  	v16 =	vbroadcast v16, $0x0;
	v23 =	vor.u32 v21, v37;
	v21 =	vand.u32 $0x7F, v38;
	v28 =	vld.idx.msk [tilespmem:v13+s8+$0x0], $0xffff  }
0x51: {  	v62 =	vnsel vm9, $0x0, v34;
	vm1 =	vmand vm6, vm1;
	v21 =	vor.u32 v21, v35;
	v30 =	vld.idx.msk [tilespmem:v12+s3+$0x0], $0xffff  }
0x52: {  	v31 =	vnsel vm8, $0x0, v31;
	v16 =	vadd.s32 v16, v36;
	v21 =	vor.u32 v24, v21;
	v36 =	vld.idx.msk [tilespmem:v13+s3+$0x0], $0xffff  }
0x53: {  	[tilespmem:v6+s9+$0x0] =	vst.idx.msk $0xffff, v27;
	v39 =	vsel vm7, $0x0, v26;
	vm8 =	vmneg vm4;
	v16 =	vadd.s32 v35, v16;
	v27 =	vld.idx.msk [tilespmem:v22+s3+$0x0], $0xffff  }
0x54: {  	[tilespmem:v5+s9+$0x0] =	vst.idx.msk $0xffff, v20;
	vm4 =	vmand vm4, vm2;
	v34 =	vnsel vm1, $0x0, v25;
	v24 =	vor.u32 v1, v16;
	v26 =	vld.idx.msk [tilespmem:v22+s8+$0x0], $0xffff  }
0x55: {  	[tilespmem:v14+s9+$0x0] =	vst.idx.msk $0xffff, v31;
	v29 =	vnsel vm4, $0x0, v29;
	vm8 =	vmand vm2, vm8;
	v37 =	vor.u32 v0, v16;
	v20 =	vld.idx.msk [tilespmem:v23+s8+$0x0], $0xffff  }
0x56: {  	[tilespmem:v8+s9+$0x0] =	vst.idx.msk $0xffff, v62;
	v32 =	vnsel vm8, $0x0, v32;
	v38 =	vsel vm3, $0x0, v15;
	v16 =	vld.idx.msk [tilespmem:v23+s3+$0x0], $0xffff;
	vm6 =	vge.f32 v28, v19  }
0x57: {  	v25 =	vld.idx.msk [tilespmem:v21+s8+$0x0], $0xffff;
	v63 =	vmax.f32 v28, v19;
	vm7 =	vge.f32 v36, v30;
	v15 =	vmax.f32 v36, v30  }
0x58: {  	[tilespmem:v7+s9+$0x0] =	vst.idx.msk $0xffff, v29;
	v31 =	vld.idx.msk [tilespmem:v21+s3+$0x0], $0xffff;
	vm1 =	vmneg vm6;
	vm6 =	vmor vm5, vm2;
	vm5 =	vge.f32 v15, v63  }
0x59: {  	[tilespmem:v14+s10+$0x0] =	vst.idx.msk $0xffff, v39;
	v14 =	vmovc v37;
	vm4 =	vmneg vm7;
	v15 =	vld.idx.msk [tilespmem:v24+s8+$0x0], $0xffff;
	vm2 =	vmneg vm5;
	vm3 =	vmor vm1, vm5  }
.LBB2_4:
0x5a: {  	s19 =	sadd.s32 $0x4, s19;
	v29 =	vld.idx.msk [tilespmem:v37+s8+$0x0], $0xffff;
	v35 =	vmax.f32 v10, v20;
	vm7 =	vmand vm7, vm5;
	v11 =	vsel vm6, $0x0, v11;
	[tilespmem:v6+s10+$0x0] =	vst.idx.msk $0xffff, v38  }
0x5b: {  	vm6 =	vge.f32 v33, v16;
	v37 =	vmax.f32 v33, v16;
	s21 =	smul.u32 $0xAAAB, s19;
	s20 =	sor.u32 $0x1, s19;
	s22 =	sor.u32 $0x3, s19;
	v36 =	vnsel vm7, $0x0, v36;
	[tilespmem:v4+s9+$0x0] =	vst.idx.msk $0xffff, v32  }
0x5c: {  	vm5 =	vmand vm5, vm4;
	v9 =	vnsel vm0, $0x0, v9;
	v6 =	vmovc v18;
	s24 =	sor.u32 $0x2, s19;
	vm7 =	vge.f32 v37, v35;
	s23 =	sand.u32 $0xFFFF, s20;
	s25 =	sand.u32 $0xFFFF, s22;
	[tilespmem:v7+s10+$0x0] =	vst.idx.msk $0xffff, v11  }
0x5d: {  	vm4 =	vmneg vm6;
	s26 =	sand.u32 $0xFFFF, s24;
	vm0 =	vmneg vm7;
	vm6 =	vmand vm6, vm7;
	v7 =	vmovc v22;
	s21 =	sshrl.u32 s21, $0x13;
	s25 =	smul.u32 $0xAAAB, s25;
	[tilespmem:v5+s10+$0x0] =	vst.idx.msk $0xffff, v17;
	v5 =	vmovc v23  }
0x5e: {  	v18 =	vsel vm3, $0x0, v28;
	p0 =	slt.u32 s19, $0x11C;
	v11 =	vmax.f32 v26, v25;
	s26 =	smul.u32 $0xAAAB, s26;
	v17 =	vnsel vm6, $0x0, v33;
	v32 =	vld.idx.msk [tilespmem:v14+s3+$0x0], $0xffff;
	[tilespmem:v13+s9+$0x0] =	vst.idx.msk $0xffff, v36  }
0x5f: {  	vm3 =	vge.f32 v10, v20;
	vm4 =	vmand vm7, vm4;
	v22 =	vnsel vm5, $0x0, v30;
	s23 =	smul.u32 $0xAAAB, s23;
	s25 =	sshrl.u32 s25, $0x13;
	v33 =	vld.idx.msk [tilespmem:v24+s3+$0x0], $0xffff;
	[tilespmem:v8+s10+$0x0] =	vst.idx.msk $0xffff, v34  }
0x60: {  	vm5 =	vmneg vm3;
	v28 =	vmax.f32 v27, v31;
	s26 =	sshrl.u32 s26, $0x13;
	v23 =	vmax.f32 v29, v15;
	s25 =	smul.u32 $0xC, s25;
	[tilespmem:v12+s9+$0x0] =	vst.idx.msk $0xffff, v22  }
0x61: {  	vm1 =	vmand vm1, vm2;
	s23 =	sshrl.u32 s23, $0x13;
	vm6 =	vge.f32 v29, v15;
	v8 =	vmovc v24;
	v22 =	vmov s21;
	s26 =	smul.u32 $0xC, s26;
	[tilespmem:v4+s10+$0x0] =	vst.idx.msk $0xffff, v9;
	v4 =	vmovc v21  }
0x62: {  	vm8 =	vge.f32 v26, v25;
	vm3 =	vmor vm5, vm7;
	v35 =	vmovc v27;
	s23 =	smul.u32 $0xC, s23;
	v21 =	vshrl.u32 v22, $0x3;
	s22 =	ssub.s32 s22, s25;
	[tilespmem:v13+s10+$0x0] =	vst.idx.msk $0xffff, v18  }
0x63: {  	vm2 =	vge.f32 v28, v11;
	s21 =	smul.u32 $0xC, s21;
	v9 =	vmovc v25;
	v13 =	vshll.u32 v22, $0x7;
	s24 =	ssub.s32 s24, s26;
	s22 =	sshll.u32 s22, $0x5;
	[tilespmem:v6+s9+$0x0] =	vst.idx.msk $0xffff, v17;
	v17 =	vnsel vm1, $0x0, v19  }
0x64: {  	v39 =	vmovc v31;
	vm7 =	vmneg vm2;
	v11 =	vmovc v26;
	s20 =	ssub.s32 s20, s23;
	v24 =	vand.u32 $0x380, v13;
	s23 =	sshll.u32 s24, $0x5;
	v13 =	vmov s22;
	[tilespmem:v12+s10+$0x0] =	vst.idx.msk $0xffff, v17  }
0x65: {  	vm0 =	vmand vm5, vm0;
	s21 =	ssub.s32 s19, s21;
	v21 =	vmul.u32 $0xC00, v21;
	s20 =	sshll.u32 s20, $0x5;
	s22 =	sand.u32 $0xFFE0, s23;
	v12 =	vshll.u32 v13, $0x3  }
0x66: {  	s21 =	sshll.u32 s21, $0x5;
	s20 =	sand.u32 $0xFFE0, s20;
	v17 =	vnsel vm0, $0x0, v20;
	v13 =	vmov s22;
	v12 =	vand.u32 $0xC00, v12  }
0x67: {  	vm5 =	vge.f32 v35, v39;
	s21 =	sand.u32 $0xFFE0, s21;
	v13 =	vshll.u32 v13, $0x3;
	v12 =	vbroadcast v12, $0x0  }
0x68: {  	vm1 =	vmneg vm6;
	v18 =	vor.u32 s22, v0;
	v13 =	vand.u32 $0xC00, v13  }
0x69: {  	v19 =	vmax.f32 v32, v33;
	v20 =	vadd.s32 v21, v13;
	v12 =	vadd.s32 v21, v12  }
0x6a: {  	vm6 =	vmneg vm8;
	v18 =	vand.u32 $0x7E, v18;
	v12 =	vor.u32 v24, v12  }
0x6b: {  	vm9 =	vge.f32 v32, v33;
	v13 =	vor.u32 v2, v12;
	v12 =	vor.u32 v3, v12  }
0x6c: {  	v22 =	vmov s20;
	vm8 =	vge.f32 v19, v23;
	v18 =	vor.u32 v18, v24  }
0x6d: {  	v19 =	vor.u32 s20, v0;
	vm10 =	vmneg vm9;
	v18 =	vor.u32 v20, v18  }
0x6e: {  	vm0 =	vmand vm6, vm7;
	v19 =	vand.u32 $0x7E, v19;
	v22 =	vshll.u32 v22, $0x3  }
0x6f: {  	v22 =	vand.u32 $0xC00, v22;
	v23 =	vor.u32 v19, v24;
	v19 =	vor.u32 s22, v1  }
0x70: {  	v25 =	vmov s21;
	v26 =	vadd.s32 v21, v22;
	v27 =	vand.u32 $0x7F, v19;
	v19 =	vld.idx.msk [tilespmem:v12+s8+$0x0], $0xffff  }
0x71: {  	vm7 =	vmand vm9, vm8;
	v22 =	vor.u32 v26, v23;
	v23 =	vor.u32 v27, v24;
	v28 =	vld.idx.msk [tilespmem:v13+s8+$0x0], $0xffff  }
0x72: {  	v25 =	vshll.u32 v25, $0x3;
	v27 =	vor.u32 s20, v1;
	v23 =	vor.u32 v20, v23;
	v30 =	vld.idx.msk [tilespmem:v12+s3+$0x0], $0xffff  }
0x73: {  	vm9 =	vmand vm8, vm10;
	v20 =	vbroadcast v25, $0x0;
	v25 =	vand.u32 $0x7F, v27  }
0x74: {  	v16 =	vnsel vm4, $0x0, v16;
	v38 =	vnsel vm9, $0x0, v33;
	v25 =	vor.u32 v25, v24;
	v31 =	vld.idx.msk [tilespmem:v18+s8+$0x0], $0xffff  }
0x75: {  	vm4 =	vmneg vm8;
	v20 =	vadd.s32 v20, v21;
	v21 =	vor.u32 v26, v25;
	v36 =	vld.idx.msk [tilespmem:v13+s3+$0x0], $0xffff  }
0x76: {  	vm8 =	vmor vm1, vm8;
	vm1 =	vmand vm1, vm4;
	v24 =	vadd.s32 v24, v20;
	v33 =	vld.idx.msk [tilespmem:v18+s3+$0x0], $0xffff;
	[tilespmem:v5+s9+$0x0] =	vst.idx.msk $0xffff, v16  }
0x77: {  	v25 =	vnsel vm7, $0x0, v32;
	vm4 =	vge.f32 v28, v19;
	v40 =	vmax.f32 v28, v19;
	v20 =	vld.idx.msk [tilespmem:v23+s8+$0x0], $0xffff  }
0x78: {  	v34 =	vnsel vm1, $0x0, v15;
	v37 =	vor.u32 v0, v24;
	v24 =	vor.u32 v1, v24;
	v27 =	vld.idx.msk [tilespmem:v22+s3+$0x0], $0xffff  }
.Ltmp0:
0x79: {  	v29 =	vsel vm8, $0x0, v29;
	vm8 =	vmneg vm5;
	vm1 =	vmneg vm4;
	v16 =	vld.idx.msk [tilespmem:v23+s3+$0x0], $0xffff;
	[tilespmem:v14+s9+$0x0] =	vst.idx.msk $0xffff, v25;
	(pc) =	sbr.rel @p0 .LBB2_4-.Ltmp0, $4  }
0x7a: {  	vm6 =	vmor vm6, vm2;
	vm4 =	vmand vm5, vm2;
	v25 =	vld.idx.msk [tilespmem:v21+s8+$0x0], $0xffff;
	[tilespmem:v8+s9+$0x0] =	vst.idx.msk $0xffff, v38;
	v38 =	vsel vm3, $0x0, v10;
	v10 =	vmovc v31  }
0x7b: {  	v32 =	vnsel vm4, $0x0, v35;
	vm7 =	vge.f32 v36, v30;
	v15 =	vmax.f32 v36, v30;
	v26 =	vld.idx.msk [tilespmem:v22+s8+$0x0], $0xffff  }
0x7c: {  	vm8 =	vmand vm2, vm8;
	vm4 =	vmneg vm7;
	vm5 =	vge.f32 v15, v40;
	v31 =	vld.idx.msk [tilespmem:v21+s3+$0x0], $0xffff;
	[tilespmem:v7+s9+$0x0] =	vst.idx.msk $0xffff, v32  }
0x7d: {  	vm2 =	vmneg vm5;
	vm3 =	vmor vm1, vm5;
	v32 =	vnsel vm8, $0x0, v39;
	v15 =	vld.idx.msk [tilespmem:v24+s8+$0x0], $0xffff;
	[tilespmem:v14+s10+$0x0] =	vst.idx.msk $0xffff, v29;
	v14 =	vmovc v37  }
0x7e: {  	_ =	sdelay $0x3  }
0x7f: {  	[tilespmem:v6+s10+$0x0] =	vst.idx.msk $0xffff, v38  }
0x80: {  	v29 =	vmax.f32 v10, v20;
	[tilespmem:v4+s9+$0x0] =	vst.idx.msk $0xffff, v32  }
0x81: {  	v55 =	vld.idx.msk [tilespmem:v37+s8+$0x0], $0xffff;
	v11 =	vsel vm6, $0x0, v11;
	vm8 =	vge.f32 v33, v16;
	[tilespmem:v8+s10+$0x0] =	vst.idx.msk $0xffff, v34  }
0x82: {  	vm7 =	vmand vm7, vm5;
	v56 =	vmax.f32 v33, v16;
	v57 =	vld.idx.msk [tilespmem:v14+s3+$0x0], $0xffff;
	vm4 =	vmand vm5, vm4;
	[tilespmem:v7+s10+$0x0] =	vst.idx.msk $0xffff, v11  }
0x83: {  	v9 =	vnsel vm0, $0x0, v9;
	v28 =	vsel vm3, $0x0, v28;
	v35 =	vnsel vm7, $0x0, v36;
	[tilespmem:v5+s10+$0x0] =	vst.idx.msk $0xffff, v17;
	v5 =	vld.idx.msk [tilespmem:v24+s3+$0x0], $0xffff  }
0x84: {  	vm14 =	vge.f32 v10, v20;
	vm2 =	vmand vm1, vm2;
	vm6 =	vge.f32 v56, v29;
	[tilespmem:v13+s9+$0x0] =	vst.idx.msk $0xffff, v35  }
0x85: {  	vm12 =	vmneg vm8;
	v60 =	vnsel vm4, $0x0, v30;
	vm0 =	vmneg vm14;
	[tilespmem:v4+s10+$0x0] =	vst.idx.msk $0xffff, v9  }
0x86: {  	vm13 =	vmand vm8, vm6;
	v58 =	vmax.f32 v26, v25;
	vm15 =	vmand vm6, vm12;
	[tilespmem:v12+s9+$0x0] =	vst.idx.msk $0xffff, v60  }
0x87: {  	v59 =	vnsel vm13, $0x0, v33;
	v62 =	vmax.f32 v27, v31;
	vm12 =	vge.f32 v27, v31;
	[tilespmem:v13+s10+$0x0] =	vst.idx.msk $0xffff, v28  }
0x88: {  	vm1 =	vge.f32 v62, v58;
	v61 =	vmax.f32 v55, v15;
	v4 =	vmax.f32 v57, v5  }
0x89: {  	v63 =	vnsel vm2, $0x0, v19;
	[tilespmem:v18+s9+$0x0] =	vst.idx.msk $0xffff, v59;
	vm10 =	vge.f32 v57, v5;
	vm5 =	vge.f32 v4, v61  }
0x8a: {  	[tilespmem:v12+s10+$0x0] =	vst.idx.msk $0xffff, v63;
	vm11 =	vmneg vm10;
	v4 =	vnsel vm15, $0x0, v16;
	vm2 =	vmand vm10, vm5  }
0x8b: {  	vm9 =	vge.f32 v55, v15;
	vm7 =	vmand vm5, vm11;
	[tilespmem:v23+s9+$0x0] =	vst.idx.msk $0xffff, v4;
	v4 =	vnsel vm2, $0x0, v57  }
0x8c: {  	vm13 =	vmand vm12, vm1;
	vm2 =	vmneg vm9;
	v5 =	vnsel vm7, $0x0, v5;
	[tilespmem:v14+s9+$0x0] =	vst.idx.msk $0xffff, v4  }
0x8d: {  	vm14 =	vge.f32 v26, v25;
	vm15 =	vmor vm2, vm5;
	v4 =	vnsel vm13, $0x0, v27;
	[tilespmem:v24+s9+$0x0] =	vst.idx.msk $0xffff, v5  }
0x8e: {  	vm4 =	vmneg vm12;
	vm10 =	vmor vm0, vm6;
	v5 =	vsel vm15, $0x0, v55;
	[tilespmem:v22+s9+$0x0] =	vst.idx.msk $0xffff, v4  }
0x8f: {  	vm11 =	vmand vm1, vm4;
	vm7 =	vmneg vm14;
	v4 =	vsel vm10, $0x0, v10;
	[tilespmem:v14+s10+$0x0] =	vst.idx.msk $0xffff, v5  }
0x90: {  	vm12 =	vmneg vm6;
	vm13 =	vmor vm7, vm1;
	v5 =	vnsel vm11, $0x0, v31;
	[tilespmem:v18+s10+$0x0] =	vst.idx.msk $0xffff, v4  }
0x91: {  	vm0 =	vmand vm0, vm12;
	vm14 =	vmneg vm5;
	v4 =	vsel vm13, $0x0, v26;
	[tilespmem:v21+s9+$0x0] =	vst.idx.msk $0xffff, v5  }
0x92: {  	vm1 =	vmneg vm1;
	vm15 =	vmand vm2, vm14;
	v5 =	vnsel vm0, $0x0, v20;
	[tilespmem:v22+s10+$0x0] =	vst.idx.msk $0xffff, v4  }
0x93: {  	s19 =	sadd.s32 s13, s18;
	vm1 =	vmand vm7, vm1;
	v4 =	vnsel vm15, $0x0, v15;
	[tilespmem:v23+s10+$0x0] =	vst.idx.msk $0xffff, v5  }
0x94: {  	s19 =	sshrl.u32 s19, $0x3;
	v5 =	vnsel vm1, $0x0, v25;
	[tilespmem:v24+s10+$0x0] =	vst.idx.msk $0xffff, v4  }
0x95: {  	s19 =	sadd.s32 s4, s19;
	[tilespmem:v21+s10+$0x0] =	vst.idx.msk $0xffff, v5  }
0x96: {  	[hbm4b:s19+s3] =	stream.linear.scatter [tilespmem:s9], [sflag:$0x1], $0x2400, $0x38;
	[tilespmem:$0x9000] =	vst v63  }
0x97: {  	s31 =	sadd.s32 s18, s16;
	s17 =	sadd.s32 $0x1, s17;
	_ =	swait.ge [sflag:s7], $0x2400  }
0x98: {  	s18 =	sshrl.u32 s31, $0x3;
	p0 =	sne.s32 s17, $0x4;
	[sflag:s7] =	ssyncset.done $0x0  }
.Ltmp1:
0x99: {  	s18 =	sadd.s32 s4, s18;
	[sflag:s7] =	ssyncadd.s32 $0xFFFFDC00;
	(pc) =	sbr.rel @p0 .LBB2_3-.Ltmp1, $4  }
0x9a: {  	[hbm4b:s18+s3] =	stream.linear.scatter [tilespmem:s10], [sflag:$0x1], $0x2400, $0x38;
	[tilespmem:$0x9000] =	vst v63  }
0x9b: {  	_ =	swait.ge [sflag:s7], $0x2400  }
0x9c: {  	[sflag:s7] =	ssyncset.done $0x0  }
0x9d: {  	[sflag:s7] =	ssyncadd.s32 $0xFFFFDC00  }
0x9e: {  	s12 =	sadd.s32 $0x1, s12  }
0x9f: {  	p0 =	sne.s32 s12, $0x3  }
.Ltmp2:
0xa0: {  	_ = 	snop;
	(pc) =	sbr.rel @p0 .LBB2_2-.Ltmp2, $1  }
0xa1: {  	_ =	sdelay $0x3  }
0xa2: {  	s11 =	sadd.s32 $0x1, s11  }
0xa3: {  	p0 =	sne.s32 s11, s6  }
.Ltmp3:
0xa4: {  	_ = 	snop;
	(pc) =	sbr.rel @p0 .LBB2_1-.Ltmp3, $1  }
0xa5: {  	_ =	sdelay $0x3  }
0xa6: {  	_ =	sfence.sel $0x180000  }
0xa7: {  	[bflag:$0x0] =	sbarrier.arrive $0xFFFF  }
0xa8: {  	p0 =	sne.s32 s2, $0x0;
	_ =	strace $0x90000047  }
0xa9: {  	s0 =	sadd.s32 @!p0 $0x100000, s0;
	[bflag:$0x2] =	sbarrier.arrive $0xFFFF  }
0xaa: {  	[sflag:s0] =	ssyncadd.tile.s32 @!p0 $0x1;
	_ =	shalt  }
.Lfunc_end2:
_tile_overlayer_lowered:
.L_overlay_start_2:
0xab: {  	(tag) =	ssettag $0x2  }
0xac: {  	s0 =	rddreg [dreg:$0x0];
	s2 =	stileid.u32  }
0xad: {  	s1 =	rddreg [dreg:$0x1];
	p0 =	sne.s32 s2, $0x0  }
0xae: {  	s3 =	rddreg [dreg:$0x2];
	[bflag:$0x3] =	sbarrier.arrive $0xFFFF;
	s2 =	simm.s32 @!p0 $0x1C01  }
0xaf: {  	[timem:s3], [sflag:s2] =	dma.local @!p0 [hbm:s0], s1  }
0xb0: {  	s0 =	simm.s32 @!p0 $0x1  }
0xb1: {  	_ =	swait.ge @!p0 [sflag:s0], s1  }
0xb2: {  	s1 =	ssub.s32 @!p0 $0x0, s1;
	[sflag:s0] =	ssyncset.done @!p0 $0x0  }
0xb3: {  	[sflag:s0] =	ssyncadd.s32 @!p0 s1  }
0xb4: {  	[bflag:$0x3] =	sbarrier.arrive $0xFFFF  }
0xb5: {  	_ =	shalt  }

</sc_bundles>
